<compile_context>
chip_gen: v7x
topology: tpu7x:2x2x1
jax: 0.10.2.dev20260603
libtpu: 0.0.44.dev20260713+nightly
codegen_flags: <defaults>
</compile_context>

<pallas_src>
import functools

import jax
import jax.numpy as jnp
from jax import lax
from jax.experimental import pallas as pl
from jax.experimental.pallas import tpu as pltpu
from jax.experimental.pallas import tpu_sc as plsc

N = 10000
K = 32
C = 128
NB = 27
OUT = 128
BN_EPS = 1e-3

NW = 32
PT = 320
NP = NW * PT
Q = 4
EC = Q * K
NSUB = PT // Q
CS = C // 16

_mesh = plsc.VectorSubcoreMesh(core_axis_name="c", subcore_axis_name="s")


@functools.partial(
    pl.kernel,
    out_type=jax.ShapeDtypeStruct((NP, C), jnp.float32),
    mesh=_mesh,
    scratch_types=[
        pltpu.VMEM((PT * K,), jnp.int32),
        pltpu.VMEM((EC + 16,), jnp.int32),
        pltpu.VMEM((PT + 16,), jnp.float32),
        pltpu.VMEM((32, C), jnp.float32),
        pltpu.VMEM((EC, C), jnp.float32),
        pltpu.VMEM((EC, C), jnp.float32),
        pltpu.VMEM((Q, C), jnp.float32),
        pltpu.VMEM_SHARED((N + 8, C), jnp.float32),
        pltpu.SemaphoreType.DMA,
        pltpu.SemaphoreType.DMA,
    ],
)
def _sc_spatial_conv(inputs_hbm, nnidx_hbm, filt_hbm, recip_hbm, sw_hbm,
                     out_hbm, nn_v, filt_v, recip_v, sw_v, rows0_v, rows1_v,
                     out_v, table_sp, sem0, sem1):
    wid = lax.axis_index("s") * 2 + lax.axis_index("c")
    ebase = wid * (PT * K)
    pbase = wid * PT
    pltpu.sync_copy(nnidx_hbm.at[pl.ds(ebase, PT * K)], nn_v)
    pltpu.sync_copy(recip_hbm.at[pl.ds(pbase, PT)], recip_v.at[pl.ds(0, PT)])
    pltpu.sync_copy(sw_hbm, sw_v)

    @pl.when(lax.axis_index("s") == 0)
    def _():
        pltpu.sync_copy(inputs_hbm, table_sp)

    plsc.subcore_barrier()

    def fire(q, rows, sem):
        pltpu.async_copy(table_sp.at[nn_v.at[pl.ds(q * EC, EC)]], rows, sem)

    def drain(rows, sem):
        pltpu.make_async_copy(inputs_hbm.at[pl.ds(0, EC)], rows, sem).wait()

    def compute_chunk(q, rows_v):
        pltpu.sync_copy(filt_hbm.at[pl.ds(ebase + q * EC, EC)],
                        filt_v.at[pl.ds(0, EC)])

        def point_body(p, carry2):
            def edge_body(k, acc):
                e = p * K + k
                f = filt_v[pl.ds(e, 16)][0]
                return tuple(
                    acc[cs] + rows_v[e, pl.ds(cs * 16, 16)]
                    * sw_v[f, pl.ds(cs * 16, 16)]
                    for cs in range(CS)
                )
            acc0 = tuple(jnp.zeros((16,), jnp.float32) for _ in range(CS))
            acc = lax.fori_loop(0, K, edge_body, acc0)
            rc = recip_v[pl.ds(q * Q + p, 16)][0]
            for cs in range(CS):
                out_v[p, pl.ds(cs * 16, 16)] = acc[cs] * rc
            return carry2

        lax.fori_loop(0, Q, point_body, 0)
        pltpu.sync_copy(out_v, out_hbm.at[pl.ds(pbase + q * Q, Q)])

    fire(0, rows0_v, sem0)

    def chunk2_body(i, carry):
        q0 = 2 * i
        drain(rows0_v, sem0)
        fire(q0 + 1, rows1_v, sem1)
        compute_chunk(q0, rows0_v)
        drain(rows1_v, sem1)

        @pl.when(q0 + 2 < NSUB)
        def _():
            fire(q0 + 2, rows0_v, sem0)

        compute_chunk(q0 + 1, rows1_v)
        return carry

    lax.fori_loop(0, NSUB // 2, chunk2_body, 0)


BLK = 2048


def _tc_matmul_stats(x_ref, w_ref, b_ref, y_ref, s_ref):
    i = pl.program_id(0)
    x = x_ref[...]
    y = jnp.maximum(
        jnp.dot(x, w_ref[...], preferred_element_type=jnp.float32)
        + b_ref[...], 0.0)
    y_ref[...] = y
    rows = lax.broadcasted_iota(jnp.int32, (BLK, 1), 0) + i * BLK
    ym = jnp.where(rows < N, y, 0.0)

    @pl.when(i == 0)
    def _():
        s_ref[...] = jnp.zeros_like(s_ref)

    s_ref[0:1, :] += jnp.sum(ym, axis=0, keepdims=True)
    s_ref[1:2, :] += jnp.sum(ym * ym, axis=0, keepdims=True)


def _tc_normalize(y_ref, s_ref, g_ref, bt_ref, o_ref):
    s0 = s_ref[0:1, :]
    s1 = s_ref[1:2, :]
    mean = s0 * (1.0 / N)
    var = s1 * (1.0 / N) - mean * mean
    scale = g_ref[...] * lax.rsqrt(var + BN_EPS)
    o_ref[...] = y_ref[...] * scale + (bt_ref[...] - mean * scale)


def kernel(inputs, nn_count, nn_index, filt_index, spatial_weights,
           depth_weights, biases, gamma, beta):
    cnt = jnp.maximum(nn_count, 1)
    mask = jnp.arange(K, dtype=jnp.int32)[None, :] < cnt[:, None]
    nn_eff = jnp.where(mask, nn_index, N)
    nn_flat = jnp.concatenate(
        [nn_eff, jnp.full((NP - N, K), N, jnp.int32)], axis=0).reshape(-1)
    filt_flat = jnp.concatenate(
        [filt_index, jnp.zeros((NP - N, K), jnp.int32)], axis=0).reshape(-1)
    recip = jnp.concatenate(
        [1.0 / cnt.astype(jnp.float32), jnp.ones((NP - N,), jnp.float32)])
    inputs_pad = jnp.concatenate(
        [inputs, jnp.zeros((8, C), jnp.float32)], axis=0)
    sw2 = jnp.concatenate(
        [spatial_weights.reshape(NB, C), jnp.zeros((32 - NB, C), jnp.float32)],
        axis=0)

    summed = _sc_spatial_conv(inputs_pad, nn_flat, filt_flat, recip, sw2)

    y, stats = pl.pallas_call(
        _tc_matmul_stats,
        grid=(NP // BLK,),
        in_specs=[
            pl.BlockSpec((BLK, C), lambda i: (i, 0)),
            pl.BlockSpec((C, OUT), lambda i: (0, 0)),
            pl.BlockSpec((1, OUT), lambda i: (0, 0)),
        ],
        out_specs=[
            pl.BlockSpec((BLK, OUT), lambda i: (i, 0)),
            pl.BlockSpec((8, OUT), lambda i: (0, 0)),
        ],
        out_shape=[
            jax.ShapeDtypeStruct((NP, OUT), jnp.float32),
            jax.ShapeDtypeStruct((8, OUT), jnp.float32),
        ],
    )(summed, depth_weights, biases)

    out = pl.pallas_call(
        _tc_normalize,
        grid=(NP // BLK,),
        in_specs=[
            pl.BlockSpec((BLK, OUT), lambda i: (i, 0)),
            pl.BlockSpec((8, OUT), lambda i: (0, 0)),
            pl.BlockSpec((1, OUT), lambda i: (0, 0)),
            pl.BlockSpec((1, OUT), lambda i: (0, 0)),
        ],
        out_specs=pl.BlockSpec((BLK, OUT), lambda i: (i, 0)),
        out_shape=jax.ShapeDtypeStruct((NP, OUT), jnp.float32),
    )(y, stats, gamma.reshape(1, OUT), beta.reshape(1, OUT))

    return out[:N]

# --- scband reference (transcript-rebuilt; emitter-appended) ---
"""Pipeline reference for scband-pcloud-conv3d-54640573939789 (READ-ONLY COPY).

The authoritative reference and input builder live on the scoring server;
editing this copy changes nothing except your own understanding.
"""

import jax, jax.numpy as jnp
import numpy as np

N = 10000   # points
K = 32      # neighbors per point
C = 128     # in_channels
NB = 27     # num_basis (spherical bins)
MULT = 1    # depth_multiplier
OUT = 128   # out_channels
BN_EPS = 1e-3


def setup_inputs(seed: int = 0) -> dict:
    key = jax.random.key(seed)
    ks = jax.random.split(key, 8)
    inputs = jax.random.normal(ks[0], (N, C), dtype=jnp.float32)
    nn_count = jax.random.randint(ks[1], (N,), 0, K, dtype=jnp.int32)
    nn_index = jax.random.randint(ks[2], (N, K), 0, N, dtype=jnp.int32)
    filt_index = jax.random.randint(ks[3], (N, K), 0, NB, dtype=jnp.int32)
    # learned parameters (xavier-ish init for weights, zeros for bias, BN affine)
    sw_std = float(np.sqrt(2.0 / (NB * C + C * MULT)))
    spatial_weights = jax.random.normal(ks[4], (NB, C, MULT), dtype=jnp.float32) * sw_std
    dw_std = float(np.sqrt(2.0 / (C * MULT + OUT)))
    depth_weights = jax.random.normal(ks[5], (C * MULT, OUT), dtype=jnp.float32) * dw_std
    biases = jnp.zeros((1, OUT), dtype=jnp.float32)
    gamma = jnp.ones((OUT,), dtype=jnp.float32)
    beta = jnp.zeros((OUT,), dtype=jnp.float32)
    return {"inputs": inputs, "nn_count": nn_count, "nn_index": nn_index,
            "filt_index": filt_index, "spatial_weights": spatial_weights,
            "depth_weights": depth_weights, "biases": biases,
            "gamma": gamma, "beta": beta}


def reference(inputs, nn_count, nn_index, filt_index, spatial_weights,
              depth_weights, biases, gamma, beta):
    # depthwise spatial conv over point neighborhoods (conv3d.conv3d semantics):
    # out[n,c,t] = (1/cnt[n]) * sum_{k < cnt[n]} inputs[nn_index[n,k], c] * spatial_weights[filt_index[n,k], c, t]
    cnt = jnp.maximum(nn_count, 1)
    mask = (jnp.arange(K)[None, :] < cnt[:, None]).astype(jnp.float32)  # [N,K]
    gathered = jnp.take(inputs, nn_index, axis=0)                 # [N,K,C]
    w = jnp.take(spatial_weights, filt_index, axis=0)             # [N,K,C,MULT]
    contrib = gathered[..., None] * w                             # [N,K,C,MULT]
    summed = jnp.sum(contrib * mask[:, :, None, None], axis=1)    # [N,C,MULT]
    out = summed / cnt.astype(jnp.float32)[:, None, None]
    out = out.reshape(N, C * MULT)
    # pointwise (depth) conv
    out = out @ depth_weights + biases
    # activation
    out = jax.nn.relu(out)
    # BatchNorm1d in training mode (batch statistics), eps=0.001
    mean = jnp.mean(out, axis=0)
    var = jnp.var(out, axis=0)
    out = (out - mean) / jnp.sqrt(var + BN_EPS) * gamma + beta
    return out

if __name__ == "__main__":
    import jax
    _d = setup_inputs()
    print(jax.jit(kernel)(*tuple(_d.values())))

</pallas_src>

<mosaic_0001>
#map = affine_map<(d0, d1) -> (0, 0)>
#map1 = affine_map<(d0, d1) -> (0)>
module attributes {stable_mosaic.version = 14 : i64} {
  func.func @_sc_spatial_conv(%arg0: i32, %arg1: i32, %arg2: memref<10008x128xf32, #tpu.memory_space<hbm>>, %arg3: memref<327680xi32, #tpu.memory_space<hbm>>, %arg4: memref<327680xi32, #tpu.memory_space<hbm>>, %arg5: memref<10240xf32, #tpu.memory_space<hbm>>, %arg6: memref<32x128xf32, #tpu.memory_space<hbm>>, %arg7: memref<10240x128xf32, #tpu.memory_space<hbm>>, %arg8: memref<10240xi32, #tpu.memory_space<vmem>>, %arg9: memref<144xi32, #tpu.memory_space<vmem>>, %arg10: memref<336xf32, #tpu.memory_space<vmem>>, %arg11: memref<32x128xf32, #tpu.memory_space<vmem>>, %arg12: memref<128x128xf32, #tpu.memory_space<vmem>>, %arg13: memref<128x128xf32, #tpu.memory_space<vmem>>, %arg14: memref<4x128xf32, #tpu.memory_space<vmem>>, %arg15: memref<10008x128xf32, #tpu.memory_space<vmem_shared>>, %arg16: memref<!tpu.dma_semaphore, #tpu.memory_space<semaphore_mem>>, %arg17: memref<!tpu.dma_semaphore, #tpu.memory_space<semaphore_mem>>) attributes {dimension_semantics = [#tpu.dimension_semantics<core_parallel>, #tpu.dimension_semantics<subcore_parallel>], iteration_bounds = array<i64: 2, 16>, scalar_prefetch = 0 : i64, scratch_operands = 10 : i64, tpu.core_type = #tpu.core_type<sc_vector_subcore>, window_params = [{transform_indices = #map}, {transform_indices = #map1}, {transform_indices = #map1}, {transform_indices = #map1}, {transform_indices = #map}, {transform_indices = #map}]} {
    %mul3A = arith.constant 2 : i32
    %mul3A_0 = arith.muli %arg1, %mul3A : i32
    %add3A = arith.addi %mul3A_0, %arg0 : i32
    %mul3A_1 = arith.constant 10240 : i32
    %mul3A_2 = arith.muli %add3A, %mul3A_1 : i32
    %mul3A_3 = arith.constant 320 : i32
    %mul3A_4 = arith.muli %add3A, %mul3A_3 : i32
    "tpu.region"() ({
      %run_scoped3A = tpu.sem_alloc : memref<!tpu.dma_semaphore, #tpu.memory_space<semaphore_mem>>
      %dma_start3A_16 = tpu.memref_slice %arg3[%mul3A_2] : memref<327680xi32, #tpu.memory_space<hbm>> -> memref<10240xi32, #tpu.memory_space<hbm>>
      %dma_start3A_17 = tpu.memref_slice %arg3[%mul3A_2] : memref<327680xi32, #tpu.memory_space<hbm>> -> memref<10240xi32, #tpu.memory_space<hbm>>
      tpu.enqueue_dma source(%dma_start3A_17 : memref<10240xi32, #tpu.memory_space<hbm>>) target(%arg8 : memref<10240xi32, #tpu.memory_space<vmem>>) target_semaphore(%run_scoped3A : memref<!tpu.dma_semaphore, #tpu.memory_space<semaphore_mem>>)
      %dma_wait3A = tpu.memref_slice %arg3[%mul3A_2] : memref<327680xi32, #tpu.memory_space<hbm>> -> memref<10240xi32, #tpu.memory_space<hbm>>
      %dma_wait3A_18 = tpu.memref_slice %arg3[%mul3A_2] : memref<327680xi32, #tpu.memory_space<hbm>> -> memref<10240xi32, #tpu.memory_space<hbm>>
      tpu.wait_dma2 semaphore(%run_scoped3A : memref<!tpu.dma_semaphore, #tpu.memory_space<semaphore_mem>>) src(%dma_wait3A_18 : memref<10240xi32, #tpu.memory_space<hbm>>) dst(%arg8 : memref<10240xi32, #tpu.memory_space<vmem>>)
      tpu.yield
    }) : () -> ()
    "tpu.region"() ({
      %run_scoped3A = tpu.sem_alloc : memref<!tpu.dma_semaphore, #tpu.memory_space<semaphore_mem>>
      %dma_start3A_16 = arith.constant 0 : i32
      %dma_start3A_17 = tpu.memref_slice %arg10[%dma_start3A_16] : memref<336xf32, #tpu.memory_space<vmem>> -> memref<320xf32, #tpu.memory_space<vmem>>
      %dma_start3A_18 = tpu.memref_slice %arg5[%mul3A_4] : memref<10240xf32, #tpu.memory_space<hbm>> -> memref<320xf32, #tpu.memory_space<hbm>>
      %dma_start3A_19 = arith.constant 0 : i32
      %dma_start3A_20 = tpu.memref_slice %arg10[%dma_start3A_19] : memref<336xf32, #tpu.memory_space<vmem>> -> memref<320xf32, #tpu.memory_space<vmem>>
      %dma_start3A_21 = tpu.memref_slice %arg5[%mul3A_4] : memref<10240xf32, #tpu.memory_space<hbm>> -> memref<320xf32, #tpu.memory_space<hbm>>
      tpu.enqueue_dma source(%dma_start3A_21 : memref<320xf32, #tpu.memory_space<hbm>>) target(%dma_start3A_20 : memref<320xf32, #tpu.memory_space<vmem>>) target_semaphore(%run_scoped3A : memref<!tpu.dma_semaphore, #tpu.memory_space<semaphore_mem>>)
      %dma_wait3A = arith.constant 0 : i32
      %dma_wait3A_22 = tpu.memref_slice %arg10[%dma_wait3A] : memref<336xf32, #tpu.memory_space<vmem>> -> memref<320xf32, #tpu.memory_space<vmem>>
      %dma_wait3A_23 = tpu.memref_slice %arg5[%mul3A_4] : memref<10240xf32, #tpu.memory_space<hbm>> -> memref<320xf32, #tpu.memory_space<hbm>>
      %dma_wait3A_24 = arith.constant 0 : i32
      %dma_wait3A_25 = tpu.memref_slice %arg10[%dma_wait3A_24] : memref<336xf32, #tpu.memory_space<vmem>> -> memref<320xf32, #tpu.memory_space<vmem>>
      %dma_wait3A_26 = tpu.memref_slice %arg5[%mul3A_4] : memref<10240xf32, #tpu.memory_space<hbm>> -> memref<320xf32, #tpu.memory_space<hbm>>
      tpu.wait_dma2 semaphore(%run_scoped3A : memref<!tpu.dma_semaphore, #tpu.memory_space<semaphore_mem>>) src(%dma_wait3A_26 : memref<320xf32, #tpu.memory_space<hbm>>) dst(%dma_wait3A_25 : memref<320xf32, #tpu.memory_space<vmem>>)
      tpu.yield
    }) : () -> ()
    "tpu.region"() ({
      %run_scoped3A = tpu.sem_alloc : memref<!tpu.dma_semaphore, #tpu.memory_space<semaphore_mem>>
      tpu.enqueue_dma source(%arg6 : memref<32x128xf32, #tpu.memory_space<hbm>>) target(%arg11 : memref<32x128xf32, #tpu.memory_space<vmem>>) target_semaphore(%run_scoped3A : memref<!tpu.dma_semaphore, #tpu.memory_space<semaphore_mem>>)
      tpu.wait_dma2 semaphore(%run_scoped3A : memref<!tpu.dma_semaphore, #tpu.memory_space<semaphore_mem>>) src(%arg6 : memref<32x128xf32, #tpu.memory_space<hbm>>) dst(%arg11 : memref<32x128xf32, #tpu.memory_space<vmem>>)
      tpu.yield
    }) : () -> ()
    %eq3A = arith.constant 0 : i32
    %eq3A_5 = arith.cmpi eq, %arg1, %eq3A : i32
    %convert_element_type3A = arith.extui %eq3A_5 : i1 to i32
    %cond3A = arith.constant 0 : i32
    %cond3A_6 = arith.cmpi ne, %convert_element_type3A, %cond3A : i32
    scf.if %cond3A_6 {
      "tpu.region"() ({
        %run_scoped3A = tpu.sem_alloc : memref<!tpu.dma_semaphore, #tpu.memory_space<semaphore_mem>>
        tpu.enqueue_dma source(%arg2 : memref<10008x128xf32, #tpu.memory_space<hbm>>) target(%arg15 : memref<10008x128xf32, #tpu.memory_space<vmem_shared>>) target_semaphore(%run_scoped3A : memref<!tpu.dma_semaphore, #tpu.memory_space<semaphore_mem>>)
        tpu.wait_dma2 semaphore(%run_scoped3A : memref<!tpu.dma_semaphore, #tpu.memory_space<semaphore_mem>>) src(%arg2 : memref<10008x128xf32, #tpu.memory_space<hbm>>) dst(%arg15 : memref<10008x128xf32, #tpu.memory_space<vmem_shared>>)
        tpu.yield
      }) : () -> ()
    } else {
    }
    %barrier3A = arith.constant 0 : index
    tpu.barrier barrier_id(%barrier3A)
    %dma_start3A = arith.constant 0 : i32
    %dma_start3A_7 = tpu.memref_slice %arg8[%dma_start3A] : memref<10240xi32, #tpu.memory_space<vmem>> -> memref<128xi32, #tpu.memory_space<vmem>>
    %dma_start3A_8 = arith.constant 0 : i32
    %dma_start3A_9 = arith.constant 0 : i32
    %dma_start3A_10 = tpu.memref_slice %arg15[%dma_start3A_8, %dma_start3A_9] : memref<10008x128xf32, #tpu.memory_space<vmem_shared>> -> memref<10008x128xf32, #tpu.memory_space<vmem_shared>>
    tpu.enqueue_indirect_dma source(%dma_start3A_10 : memref<10008x128xf32, #tpu.memory_space<vmem_shared>>) target(%arg12 : memref<128x128xf32, #tpu.memory_space<vmem>>) offsets(%dma_start3A_7 : memref<128xi32, #tpu.memory_space<vmem>>) semaphore(%arg16 : memref<!tpu.dma_semaphore, #tpu.memory_space<semaphore_mem>>)
    %scan3A = arith.constant 0 : i32
    %scan3A_11 = arith.constant 0 : i32
    %scan3A_12 = arith.constant 40 : i32
    %scan3A_13 = arith.addi %scan3A_11, %scan3A_12 : i32
    %scan3A_14 = arith.constant 1 : i32
    scf.for %scan3A_16 = %scan3A_11 to %scan3A_13 step %scan3A_14  : i32 {
      %mul3A_17 = arith.constant 2 : i32
      %mul3A_18 = arith.muli %mul3A_17, %scan3A_16 : i32
      %dma_wait3A = arith.constant 0 : i32
      %dma_wait3A_19 = arith.constant 0 : i32
      %dma_wait3A_20 = tpu.memref_slice %arg2[%dma_wait3A, %dma_wait3A_19] : memref<10008x128xf32, #tpu.memory_space<hbm>> -> memref<128x128xf32, #tpu.memory_space<hbm>>
      %dma_wait3A_21 = arith.constant 0 : i32
      %dma_wait3A_22 = arith.constant 0 : i32
      %dma_wait3A_23 = tpu.memref_slice %arg2[%dma_wait3A_21, %dma_wait3A_22] : memref<10008x128xf32, #tpu.memory_space<hbm>> -> memref<128x128xf32, #tpu.memory_space<hbm>>
      tpu.wait_dma2 semaphore(%arg16 : memref<!tpu.dma_semaphore, #tpu.memory_space<semaphore_mem>>) src(%dma_wait3A_23 : memref<128x128xf32, #tpu.memory_space<hbm>>) dst(%arg12 : memref<128x128xf32, #tpu.memory_space<vmem>>)
      %add3A_24 = arith.constant 1 : i32
      %add3A_25 = arith.addi %mul3A_18, %add3A_24 : i32
      %mul3A_26 = arith.constant 128 : i32
      %mul3A_27 = arith.muli %add3A_25, %mul3A_26 : i32
      %dma_start3A_28 = tpu.memref_slice %arg8[%mul3A_27] : memref<10240xi32, #tpu.memory_space<vmem>> -> memref<128xi32, #tpu.memory_space<vmem>>
      %dma_start3A_29 = arith.constant 0 : i32
      %dma_start3A_30 = arith.constant 0 : i32
      %dma_start3A_31 = tpu.memref_slice %arg15[%dma_start3A_29, %dma_start3A_30] : memref<10008x128xf32, #tpu.memory_space<vmem_shared>> -> memref<10008x128xf32, #tpu.memory_space<vmem_shared>>
      tpu.enqueue_indirect_dma source(%dma_start3A_31 : memref<10008x128xf32, #tpu.memory_space<vmem_shared>>) target(%arg13 : memref<128x128xf32, #tpu.memory_space<vmem>>) offsets(%dma_start3A_28 : memref<128xi32, #tpu.memory_space<vmem>>) semaphore(%arg17 : memref<!tpu.dma_semaphore, #tpu.memory_space<semaphore_mem>>)
      %mul3A_32 = arith.constant 128 : i32
      %mul3A_33 = arith.muli %mul3A_18, %mul3A_32 : i32
      %add3A_34 = arith.addi %mul3A_2, %mul3A_33 : i32
      "tpu.region"() ({
        %run_scoped3A = tpu.sem_alloc : memref<!tpu.dma_semaphore, #tpu.memory_space<semaphore_mem>>
        %dma_start3A_70 = arith.constant 0 : i32
        %dma_start3A_71 = tpu.memref_slice %arg9[%dma_start3A_70] : memref<144xi32, #tpu.memory_space<vmem>> -> memref<128xi32, #tpu.memory_space<vmem>>
        %dma_start3A_72 = tpu.memref_slice %arg4[%add3A_34] : memref<327680xi32, #tpu.memory_space<hbm>> -> memref<128xi32, #tpu.memory_space<hbm>>
        %dma_start3A_73 = arith.constant 0 : i32
        %dma_start3A_74 = tpu.memref_slice %arg9[%dma_start3A_73] : memref<144xi32, #tpu.memory_space<vmem>> -> memref<128xi32, #tpu.memory_space<vmem>>
        %dma_start3A_75 = tpu.memref_slice %arg4[%add3A_34] : memref<327680xi32, #tpu.memory_space<hbm>> -> memref<128xi32, #tpu.memory_space<hbm>>
        tpu.enqueue_dma source(%dma_start3A_75 : memref<128xi32, #tpu.memory_space<hbm>>) target(%dma_start3A_74 : memref<128xi32, #tpu.memory_space<vmem>>) target_semaphore(%run_scoped3A : memref<!tpu.dma_semaphore, #tpu.memory_space<semaphore_mem>>)
        %dma_wait3A_76 = arith.constant 0 : i32
        %dma_wait3A_77 = tpu.memref_slice %arg9[%dma_wait3A_76] : memref<144xi32, #tpu.memory_space<vmem>> -> memref<128xi32, #tpu.memory_space<vmem>>
        %dma_wait3A_78 = tpu.memref_slice %arg4[%add3A_34] : memref<327680xi32, #tpu.memory_space<hbm>> -> memref<128xi32, #tpu.memory_space<hbm>>
        %dma_wait3A_79 = arith.constant 0 : i32
        %dma_wait3A_80 = tpu.memref_slice %arg9[%dma_wait3A_79] : memref<144xi32, #tpu.memory_space<vmem>> -> memref<128xi32, #tpu.memory_space<vmem>>
        %dma_wait3A_81 = tpu.memref_slice %arg4[%add3A_34] : memref<327680xi32, #tpu.memory_space<hbm>> -> memref<128xi32, #tpu.memory_space<hbm>>
        tpu.wait_dma2 semaphore(%run_scoped3A : memref<!tpu.dma_semaphore, #tpu.memory_space<semaphore_mem>>) src(%dma_wait3A_81 : memref<128xi32, #tpu.memory_space<hbm>>) dst(%dma_wait3A_80 : memref<128xi32, #tpu.memory_space<vmem>>)
        tpu.yield
      }) : () -> ()
      %scan3A_35 = arith.constant 0 : i32
      %scan3A_36 = arith.constant 0 : i32
      %scan3A_37 = arith.constant 4 : i32
      %scan3A_38 = arith.addi %scan3A_36, %scan3A_37 : i32
      %scan3A_39 = arith.constant 1 : i32
      scf.for %scan3A_70 = %scan3A_36 to %scan3A_38 step %scan3A_39  : i32 {
        %broadcast_in_dim3A = arith.constant 0.000000e+00 : f32
        %broadcast_in_dim3A_71 = vector.broadcast %broadcast_in_dim3A : f32 to vector<16xf32>
        %broadcast_in_dim3A_72 = arith.constant 0.000000e+00 : f32
        %broadcast_in_dim3A_73 = vector.broadcast %broadcast_in_dim3A_72 : f32 to vector<16xf32>
        %broadcast_in_dim3A_74 = arith.constant 0.000000e+00 : f32
        %broadcast_in_dim3A_75 = vector.broadcast %broadcast_in_dim3A_74 : f32 to vector<16xf32>
        %broadcast_in_dim3A_76 = arith.constant 0.000000e+00 : f32
        %broadcast_in_dim3A_77 = vector.broadcast %broadcast_in_dim3A_76 : f32 to vector<16xf32>
        %broadcast_in_dim3A_78 = arith.constant 0.000000e+00 : f32
        %broadcast_in_dim3A_79 = vector.broadcast %broadcast_in_dim3A_78 : f32 to vector<16xf32>
        %broadcast_in_dim3A_80 = arith.constant 0.000000e+00 : f32
        %broadcast_in_dim3A_81 = vector.broadcast %broadcast_in_dim3A_80 : f32 to vector<16xf32>
        %broadcast_in_dim3A_82 = arith.constant 0.000000e+00 : f32
        %broadcast_in_dim3A_83 = vector.broadcast %broadcast_in_dim3A_82 : f32 to vector<16xf32>
        %broadcast_in_dim3A_84 = arith.constant 0.000000e+00 : f32
        %broadcast_in_dim3A_85 = vector.broadcast %broadcast_in_dim3A_84 : f32 to vector<16xf32>
        %scan3A_86 = arith.constant 0 : i32
        %scan3A_87 = arith.constant 32 : i32
        %scan3A_88 = arith.addi %scan3A_86, %scan3A_87 : i32
        %scan3A_89 = arith.constant 1 : i32
        %scan3A_90:8 = scf.for %scan3A_152 = %scan3A_86 to %scan3A_88 step %scan3A_89 iter_args(%scan3A_153 = %broadcast_in_dim3A_71, %scan3A_154 = %broadcast_in_dim3A_73, %scan3A_155 = %broadcast_in_dim3A_75, %scan3A_156 = %broadcast_in_dim3A_77, %scan3A_157 = %broadcast_in_dim3A_79, %scan3A_158 = %broadcast_in_dim3A_81, %scan3A_159 = %broadcast_in_dim3A_83, %scan3A_160 = %broadcast_in_dim3A_85) -> (vector<16xf32>, vector<16xf32>, vector<16xf32>, vector<16xf32>, vector<16xf32>, vector<16xf32>, vector<16xf32>, vector<16xf32>)  : i32 {
          %mul3A_161 = arith.constant 32 : i32
          %mul3A_162 = arith.muli %scan3A_70, %mul3A_161 : i32
          %add3A_163 = arith.addi %mul3A_162, %scan3A_152 : i32
          %get3A_164 = arith.index_cast %add3A_163 : i32 to index
          %get3A_165 = tpu.vector_load %arg9[%get3A_164] {strides = array<i32>} : memref<144xi32, #tpu.memory_space<vmem>>, vector<16xi32>,
          %get3A_166 = vector.shape_cast %get3A_165 : vector<16xi32> to vector<16xi32>
          %slice3A_167 = vector.extract_strided_slice %get3A_166 {offsets = [0], sizes = [1], strides = [1]} : vector<16xi32> to vector<1xi32>
          %squeeze3A_168 = vector.extract %slice3A_167[0] : i32 from vector<1xi32>
          %get3A_169 = arith.index_cast %add3A_163 : i32 to index
          %get3A_170 = arith.constant 0 : index
          %get3A_171 = tpu.vector_load %arg12[%get3A_169, %get3A_170] {strides = array<i32>} : memref<128x128xf32, #tpu.memory_space<vmem>>, vector<1x16xf32>,
          %get3A_172 = vector.shape_cast %get3A_171 : vector<1x16xf32> to vector<16xf32>
          %get3A_173 = arith.index_cast %squeeze3A_168 : i32 to index
          %get3A_174 = arith.constant 0 : index
          %get3A_175 = tpu.vector_load %arg11[%get3A_173, %get3A_174] {strides = array<i32>} : memref<32x128xf32, #tpu.memory_space<vmem>>, vector<1x16xf32>,
          %get3A_176 = vector.shape_cast %get3A_175 : vector<1x16xf32> to vector<16xf32>
          %mul3A_177 = arith.mulf %get3A_172, %get3A_176 : vector<16xf32>
          %add3A_178 = arith.addf %scan3A_153, %mul3A_177 : vector<16xf32>
          %get3A_179 = arith.index_cast %add3A_163 : i32 to index
          %get3A_180 = arith.constant 16 : index
          %get3A_181 = tpu.vector_load %arg12[%get3A_179, %get3A_180] {strides = array<i32>} : memref<128x128xf32, #tpu.memory_space<vmem>>, vector<1x16xf32>,
          %get3A_182 = vector.shape_cast %get3A_181 : vector<1x16xf32> to vector<16xf32>
          %get3A_183 = arith.index_cast %squeeze3A_168 : i32 to index
          %get3A_184 = arith.constant 16 : index
          %get3A_185 = tpu.vector_load %arg11[%get3A_183, %get3A_184] {strides = array<i32>} : memref<32x128xf32, #tpu.memory_space<vmem>>, vector<1x16xf32>,
          %get3A_186 = vector.shape_cast %get3A_185 : vector<1x16xf32> to vector<16xf32>
          %mul3A_187 = arith.mulf %get3A_182, %get3A_186 : vector<16xf32>
          %add3A_188 = arith.addf %scan3A_154, %mul3A_187 : vector<16xf32>
          %get3A_189 = arith.index_cast %add3A_163 : i32 to index
          %get3A_190 = arith.constant 32 : index
          %get3A_191 = tpu.vector_load %arg12[%get3A_189, %get3A_190] {strides = array<i32>} : memref<128x128xf32, #tpu.memory_space<vmem>>, vector<1x16xf32>,
          %get3A_192 = vector.shape_cast %get3A_191 : vector<1x16xf32> to vector<16xf32>
          %get3A_193 = arith.index_cast %squeeze3A_168 : i32 to index
          %get3A_194 = arith.constant 32 : index
          %get3A_195 = tpu.vector_load %arg11[%get3A_193, %get3A_194] {strides = array<i32>} : memref<32x128xf32, #tpu.memory_space<vmem>>, vector<1x16xf32>,
          %get3A_196 = vector.shape_cast %get3A_195 : vector<1x16xf32> to vector<16xf32>
          %mul3A_197 = arith.mulf %get3A_192, %get3A_196 : vector<16xf32>
          %add3A_198 = arith.addf %scan3A_155, %mul3A_197 : vector<16xf32>
          %get3A_199 = arith.index_cast %add3A_163 : i32 to index
          %get3A_200 = arith.constant 48 : index
          %get3A_201 = tpu.vector_load %arg12[%get3A_199, %get3A_200] {strides = array<i32>} : memref<128x128xf32, #tpu.memory_space<vmem>>, vector<1x16xf32>,
          %get3A_202 = vector.shape_cast %get3A_201 : vector<1x16xf32> to vector<16xf32>
          %get3A_203 = arith.index_cast %squeeze3A_168 : i32 to index
          %get3A_204 = arith.constant 48 : index
          %get3A_205 = tpu.vector_load %arg11[%get3A_203, %get3A_204] {strides = array<i32>} : memref<32x128xf32, #tpu.memory_space<vmem>>, vector<1x16xf32>,
          %get3A_206 = vector.shape_cast %get3A_205 : vector<1x16xf32> to vector<16xf32>
          %mul3A_207 = arith.mulf %get3A_202, %get3A_206 : vector<16xf32>
          %add3A_208 = arith.addf %scan3A_156, %mul3A_207 : vector<16xf32>
          %get3A_209 = arith.index_cast %add3A_163 : i32 to index
          %get3A_210 = arith.constant 64 : index
          %get3A_211 = tpu.vector_load %arg12[%get3A_209, %get3A_210] {strides = array<i32>} : memref<128x128xf32, #tpu.memory_space<vmem>>, vector<1x16xf32>,
          %get3A_212 = vector.shape_cast %get3A_211 : vector<1x16xf32> to vector<16xf32>
          %get3A_213 = arith.index_cast %squeeze3A_168 : i32 to index
          %get3A_214 = arith.constant 64 : index
          %get3A_215 = tpu.vector_load %arg11[%get3A_213, %get3A_214] {strides = array<i32>} : memref<32x128xf32, #tpu.memory_space<vmem>>, vector<1x16xf32>,
          %get3A_216 = vector.shape_cast %get3A_215 : vector<1x16xf32> to vector<16xf32>
          %mul3A_217 = arith.mulf %get3A_212, %get3A_216 : vector<16xf32>
          %add3A_218 = arith.addf %scan3A_157, %mul3A_217 : vector<16xf32>
          %get3A_219 = arith.index_cast %add3A_163 : i32 to index
          %get3A_220 = arith.constant 80 : index
          %get3A_221 = tpu.vector_load %arg12[%get3A_219, %get3A_220] {strides = array<i32>} : memref<128x128xf32, #tpu.memory_space<vmem>>, vector<1x16xf32>,
          %get3A_222 = vector.shape_cast %get3A_221 : vector<1x16xf32> to vector<16xf32>
          %get3A_223 = arith.index_cast %squeeze3A_168 : i32 to index
          %get3A_224 = arith.constant 80 : index
          %get3A_225 = tpu.vector_load %arg11[%get3A_223, %get3A_224] {strides = array<i32>} : memref<32x128xf32, #tpu.memory_space<vmem>>, vector<1x16xf32>,
          %get3A_226 = vector.shape_cast %get3A_225 : vector<1x16xf32> to vector<16xf32>
          %mul3A_227 = arith.mulf %get3A_222, %get3A_226 : vector<16xf32>
          %add3A_228 = arith.addf %scan3A_158, %mul3A_227 : vector<16xf32>
          %get3A_229 = arith.index_cast %add3A_163 : i32 to index
          %get3A_230 = arith.constant 96 : index
          %get3A_231 = tpu.vector_load %arg12[%get3A_229, %get3A_230] {strides = array<i32>} : memref<128x128xf32, #tpu.memory_space<vmem>>, vector<1x16xf32>,
          %get3A_232 = vector.shape_cast %get3A_231 : vector<1x16xf32> to vector<16xf32>
          %get3A_233 = arith.index_cast %squeeze3A_168 : i32 to index
          %get3A_234 = arith.constant 96 : index
          %get3A_235 = tpu.vector_load %arg11[%get3A_233, %get3A_234] {strides = array<i32>} : memref<32x128xf32, #tpu.memory_space<vmem>>, vector<1x16xf32>,
          %get3A_236 = vector.shape_cast %get3A_235 : vector<1x16xf32> to vector<16xf32>
          %mul3A_237 = arith.mulf %get3A_232, %get3A_236 : vector<16xf32>
          %add3A_238 = arith.addf %scan3A_159, %mul3A_237 : vector<16xf32>
          %get3A_239 = arith.index_cast %add3A_163 : i32 to index
          %get3A_240 = arith.constant 112 : index
          %get3A_241 = tpu.vector_load %arg12[%get3A_239, %get3A_240] {strides = array<i32>} : memref<128x128xf32, #tpu.memory_space<vmem>>, vector<1x16xf32>,
          %get3A_242 = vector.shape_cast %get3A_241 : vector<1x16xf32> to vector<16xf32>
          %get3A_243 = arith.index_cast %squeeze3A_168 : i32 to index
          %get3A_244 = arith.constant 112 : index
          %get3A_245 = tpu.vector_load %arg11[%get3A_243, %get3A_244] {strides = array<i32>} : memref<32x128xf32, #tpu.memory_space<vmem>>, vector<1x16xf32>,
          %get3A_246 = vector.shape_cast %get3A_245 : vector<1x16xf32> to vector<16xf32>
          %mul3A_247 = arith.mulf %get3A_242, %get3A_246 : vector<16xf32>
          %add3A_248 = arith.addf %scan3A_160, %mul3A_247 : vector<16xf32>
          scf.yield %add3A_178, %add3A_188, %add3A_198, %add3A_208, %add3A_218, %add3A_228, %add3A_238, %add3A_248 : vector<16xf32>, vector<16xf32>, vector<16xf32>, vector<16xf32>, vector<16xf32>, vector<16xf32>, vector<16xf32>, vector<16xf32>
        }
        %scan3A_91 = arith.constant 32 : i32
        %mul3A_92 = arith.constant 4 : i32
        %mul3A_93 = arith.muli %mul3A_18, %mul3A_92 : i32
        %add3A_94 = arith.addi %mul3A_93, %scan3A_70 : i32
        %get3A = arith.index_cast %add3A_94 : i32 to index
        %get3A_95 = tpu.vector_load %arg10[%get3A] {strides = array<i32>} : memref<336xf32, #tpu.memory_space<vmem>>, vector<16xf32>,
        %get3A_96 = vector.shape_cast %get3A_95 : vector<16xf32> to vector<16xf32>
        %slice3A = vector.extract_strided_slice %get3A_96 {offsets = [0], sizes = [1], strides = [1]} : vector<16xf32> to vector<1xf32>
        %squeeze3A = vector.extract %slice3A[0] : f32 from vector<1xf32>
        %mul3A_97 = vector.broadcast %squeeze3A : f32 to vector<16xf32>
        %mul3A_98 = arith.mulf %scan3A_90#0, %mul3A_97 : vector<16xf32>
        %swap3A = arith.index_cast %scan3A_70 : i32 to index
        %swap3A_99 = arith.constant 0 : index
        %swap3A_100 = tpu.vector_load %arg14[%swap3A, %swap3A_99] {strides = array<i32>} : memref<4x128xf32, #tpu.memory_space<vmem>>, vector<1x16xf32>,
        %swap3A_101 = vector.shape_cast %swap3A_100 : vector<1x16xf32> to vector<16xf32>
        %swap3A_102 = vector.shape_cast %mul3A_98 : vector<16xf32> to vector<1x16xf32>
        tpu.vector_store %arg14[%swap3A, %swap3A_99], %swap3A_102 {strides = array<i32>} : memref<4x128xf32, #tpu.memory_space<vmem>>, vector<1x16xf32>,
        %mul3A_103 = vector.broadcast %squeeze3A : f32 to vector<16xf32>
        %mul3A_104 = arith.mulf %scan3A_90#1, %mul3A_103 : vector<16xf32>
        %swap3A_105 = arith.index_cast %scan3A_70 : i32 to index
        %swap3A_106 = arith.constant 16 : index
        %swap3A_107 = tpu.vector_load %arg14[%swap3A_105, %swap3A_106] {strides = array<i32>} : memref<4x128xf32, #tpu.memory_space<vmem>>, vector<1x16xf32>,
        %swap3A_108 = vector.shape_cast %swap3A_107 : vector<1x16xf32> to vector<16xf32>
        %swap3A_109 = vector.shape_cast %mul3A_104 : vector<16xf32> to vector<1x16xf32>
        tpu.vector_store %arg14[%swap3A_105, %swap3A_106], %swap3A_109 {strides = array<i32>} : memref<4x128xf32, #tpu.memory_space<vmem>>, vector<1x16xf32>,
        %mul3A_110 = vector.broadcast %squeeze3A : f32 to vector<16xf32>
        %mul3A_111 = arith.mulf %scan3A_90#2, %mul3A_110 : vector<16xf32>
        %swap3A_112 = arith.index_cast %scan3A_70 : i32 to index
        %swap3A_113 = arith.constant 32 : index
        %swap3A_114 = tpu.vector_load %arg14[%swap3A_112, %swap3A_113] {strides = array<i32>} : memref<4x128xf32, #tpu.memory_space<vmem>>, vector<1x16xf32>,
        %swap3A_115 = vector.shape_cast %swap3A_114 : vector<1x16xf32> to vector<16xf32>
        %swap3A_116 = vector.shape_cast %mul3A_111 : vector<16xf32> to vector<1x16xf32>
        tpu.vector_store %arg14[%swap3A_112, %swap3A_113], %swap3A_116 {strides = array<i32>} : memref<4x128xf32, #tpu.memory_space<vmem>>, vector<1x16xf32>,
        %mul3A_117 = vector.broadcast %squeeze3A : f32 to vector<16xf32>
        %mul3A_118 = arith.mulf %scan3A_90#3, %mul3A_117 : vector<16xf32>
        %swap3A_119 = arith.index_cast %scan3A_70 : i32 to index
        %swap3A_120 = arith.constant 48 : index
        %swap3A_121 = tpu.vector_load %arg14[%swap3A_119, %swap3A_120] {strides = array<i32>} : memref<4x128xf32, #tpu.memory_space<vmem>>, vector<1x16xf32>,
        %swap3A_122 = vector.shape_cast %swap3A_121 : vector<1x16xf32> to vector<16xf32>
        %swap3A_123 = vector.shape_cast %mul3A_118 : vector<16xf32> to vector<1x16xf32>
        tpu.vector_store %arg14[%swap3A_119, %swap3A_120], %swap3A_123 {strides = array<i32>} : memref<4x128xf32, #tpu.memory_space<vmem>>, vector<1x16xf32>,
        %mul3A_124 = vector.broadcast %squeeze3A : f32 to vector<16xf32>
        %mul3A_125 = arith.mulf %scan3A_90#4, %mul3A_124 : vector<16xf32>
        %swap3A_126 = arith.index_cast %scan3A_70 : i32 to index
        %swap3A_127 = arith.constant 64 : index
        %swap3A_128 = tpu.vector_load %arg14[%swap3A_126, %swap3A_127] {strides = array<i32>} : memref<4x128xf32, #tpu.memory_space<vmem>>, vector<1x16xf32>,
        %swap3A_129 = vector.shape_cast %swap3A_128 : vector<1x16xf32> to vector<16xf32>
        %swap3A_130 = vector.shape_cast %mul3A_125 : vector<16xf32> to vector<1x16xf32>
        tpu.vector_store %arg14[%swap3A_126, %swap3A_127], %swap3A_130 {strides = array<i32>} : memref<4x128xf32, #tpu.memory_space<vmem>>, vector<1x16xf32>,
        %mul3A_131 = vector.broadcast %squeeze3A : f32 to vector<16xf32>
        %mul3A_132 = arith.mulf %scan3A_90#5, %mul3A_131 : vector<16xf32>
        %swap3A_133 = arith.index_cast %scan3A_70 : i32 to index
        %swap3A_134 = arith.constant 80 : index
        %swap3A_135 = tpu.vector_load %arg14[%swap3A_133, %swap3A_134] {strides = array<i32>} : memref<4x128xf32, #tpu.memory_space<vmem>>, vector<1x16xf32>,
        %swap3A_136 = vector.shape_cast %swap3A_135 : vector<1x16xf32> to vector<16xf32>
        %swap3A_137 = vector.shape_cast %mul3A_132 : vector<16xf32> to vector<1x16xf32>
        tpu.vector_store %arg14[%swap3A_133, %swap3A_134], %swap3A_137 {strides = array<i32>} : memref<4x128xf32, #tpu.memory_space<vmem>>, vector<1x16xf32>,
        %mul3A_138 = vector.broadcast %squeeze3A : f32 to vector<16xf32>
        %mul3A_139 = arith.mulf %scan3A_90#6, %mul3A_138 : vector<16xf32>
        %swap3A_140 = arith.index_cast %scan3A_70 : i32 to index
        %swap3A_141 = arith.constant 96 : index
        %swap3A_142 = tpu.vector_load %arg14[%swap3A_140, %swap3A_141] {strides = array<i32>} : memref<4x128xf32, #tpu.memory_space<vmem>>, vector<1x16xf32>,
        %swap3A_143 = vector.shape_cast %swap3A_142 : vector<1x16xf32> to vector<16xf32>
        %swap3A_144 = vector.shape_cast %mul3A_139 : vector<16xf32> to vector<1x16xf32>
        tpu.vector_store %arg14[%swap3A_140, %swap3A_141], %swap3A_144 {strides = array<i32>} : memref<4x128xf32, #tpu.memory_space<vmem>>, vector<1x16xf32>,
        %mul3A_145 = vector.broadcast %squeeze3A : f32 to vector<16xf32>
        %mul3A_146 = arith.mulf %scan3A_90#7, %mul3A_145 : vector<16xf32>
        %swap3A_147 = arith.index_cast %scan3A_70 : i32 to index
        %swap3A_148 = arith.constant 112 : index
        %swap3A_149 = tpu.vector_load %arg14[%swap3A_147, %swap3A_148] {strides = array<i32>} : memref<4x128xf32, #tpu.memory_space<vmem>>, vector<1x16xf32>,
        %swap3A_150 = vector.shape_cast %swap3A_149 : vector<1x16xf32> to vector<16xf32>
        %swap3A_151 = vector.shape_cast %mul3A_146 : vector<16xf32> to vector<1x16xf32>
        tpu.vector_store %arg14[%swap3A_147, %swap3A_148], %swap3A_151 {strides = array<i32>} : memref<4x128xf32, #tpu.memory_space<vmem>>, vector<1x16xf32>,
      }
      %scan3A_40 = arith.constant 4 : i32
      %mul3A_41 = arith.constant 4 : i32
      %mul3A_42 = arith.muli %mul3A_18, %mul3A_41 : i32
      %add3A_43 = arith.addi %mul3A_4, %mul3A_42 : i32
      "tpu.region"() ({
        %run_scoped3A = tpu.sem_alloc : memref<!tpu.dma_semaphore, #tpu.memory_space<semaphore_mem>>
        %dma_start3A_70 = arith.constant 0 : i32
        %dma_start3A_71 = tpu.memref_slice %arg7[%add3A_43, %dma_start3A_70] : memref<10240x128xf32, #tpu.memory_space<hbm>> -> memref<4x128xf32, #tpu.memory_space<hbm>>
        %dma_start3A_72 = arith.constant 0 : i32
        %dma_start3A_73 = tpu.memref_slice %arg7[%add3A_43, %dma_start3A_72] : memref<10240x128xf32, #tpu.memory_space<hbm>> -> memref<4x128xf32, #tpu.memory_space<hbm>>
        tpu.enqueue_dma source(%arg14 : memref<4x128xf32, #tpu.memory_space<vmem>>) target(%dma_start3A_73 : memref<4x128xf32, #tpu.memory_space<hbm>>) target_semaphore(%run_scoped3A : memref<!tpu.dma_semaphore, #tpu.memory_space<semaphore_mem>>)
        %dma_wait3A_74 = arith.constant 0 : i32
        %dma_wait3A_75 = tpu.memref_slice %arg7[%add3A_43, %dma_wait3A_74] : memref<10240x128xf32, #tpu.memory_space<hbm>> -> memref<4x128xf32, #tpu.memory_space<hbm>>
        %dma_wait3A_76 = arith.constant 0 : i32
        %dma_wait3A_77 = tpu.memref_slice %arg7[%add3A_43, %dma_wait3A_76] : memref<10240x128xf32, #tpu.memory_space<hbm>> -> memref<4x128xf32, #tpu.memory_space<hbm>>
        tpu.wait_dma2 semaphore(%run_scoped3A : memref<!tpu.dma_semaphore, #tpu.memory_space<semaphore_mem>>) src(%arg14 : memref<4x128xf32, #tpu.memory_space<vmem>>) dst(%dma_wait3A_77 : memref<4x128xf32, #tpu.memory_space<hbm>>)
        tpu.yield
      }) : () -> ()
      %dma_wait3A_44 = arith.constant 0 : i32
      %dma_wait3A_45 = arith.constant 0 : i32
      %dma_wait3A_46 = tpu.memref_slice %arg2[%dma_wait3A_44, %dma_wait3A_45] : memref<10008x128xf32, #tpu.memory_space<hbm>> -> memref<128x128xf32, #tpu.memory_space<hbm>>
      %dma_wait3A_47 = arith.constant 0 : i32
      %dma_wait3A_48 = arith.constant 0 : i32
      %dma_wait3A_49 = tpu.memref_slice %arg2[%dma_wait3A_47, %dma_wait3A_48] : memref<10008x128xf32, #tpu.memory_space<hbm>> -> memref<128x128xf32, #tpu.memory_space<hbm>>
      tpu.wait_dma2 semaphore(%arg17 : memref<!tpu.dma_semaphore, #tpu.memory_space<semaphore_mem>>) src(%dma_wait3A_49 : memref<128x128xf32, #tpu.memory_space<hbm>>) dst(%arg13 : memref<128x128xf32, #tpu.memory_space<vmem>>)
      %add3A_50 = arith.constant 2 : i32
      %add3A_51 = arith.addi %mul3A_18, %add3A_50 : i32
      %lt3A = arith.constant 80 : i32
      %lt3A_52 = arith.cmpi slt, %add3A_51, %lt3A : i32
      %convert_element_type3A_53 = arith.extui %lt3A_52 : i1 to i32
      %cond3A_54 = arith.constant 0 : i32
      %cond3A_55 = arith.cmpi ne, %convert_element_type3A_53, %cond3A_54 : i32
      scf.if %cond3A_55 {
        %add3A_70 = arith.constant 2 : i32
        %add3A_71 = arith.addi %mul3A_18, %add3A_70 : i32
        %mul3A_72 = arith.constant 128 : i32
        %mul3A_73 = arith.muli %add3A_71, %mul3A_72 : i32
        %dma_start3A_74 = tpu.memref_slice %arg8[%mul3A_73] : memref<10240xi32, #tpu.memory_space<vmem>> -> memref<128xi32, #tpu.memory_space<vmem>>
        %dma_start3A_75 = arith.constant 0 : i32
        %dma_start3A_76 = arith.constant 0 : i32
        %dma_start3A_77 = tpu.memref_slice %arg15[%dma_start3A_75, %dma_start3A_76] : memref<10008x128xf32, #tpu.memory_space<vmem_shared>> -> memref<10008x128xf32, #tpu.memory_space<vmem_shared>>
        tpu.enqueue_indirect_dma source(%dma_start3A_77 : memref<10008x128xf32, #tpu.memory_space<vmem_shared>>) target(%arg12 : memref<128x128xf32, #tpu.memory_space<vmem>>) offsets(%dma_start3A_74 : memref<128xi32, #tpu.memory_space<vmem>>) semaphore(%arg16 : memref<!tpu.dma_semaphore, #tpu.memory_space<semaphore_mem>>)
      } else {
      }
      %add3A_56 = arith.constant 1 : i32
      %add3A_57 = arith.addi %mul3A_18, %add3A_56 : i32
      %mul3A_58 = arith.constant 128 : i32
      %mul3A_59 = arith.muli %add3A_57, %mul3A_58 : i32
      %add3A_60 = arith.addi %mul3A_2, %mul3A_59 : i32
      "tpu.region"() ({
        %run_scoped3A = tpu.sem_alloc : memref<!tpu.dma_semaphore, #tpu.memory_space<semaphore_mem>>
        %dma_start3A_70 = arith.constant 0 : i32
        %dma_start3A_71 = tpu.memref_slice %arg9[%dma_start3A_70] : memref<144xi32, #tpu.memory_space<vmem>> -> memref<128xi32, #tpu.memory_space<vmem>>
        %dma_start3A_72 = tpu.memref_slice %arg4[%add3A_60] : memref<327680xi32, #tpu.memory_space<hbm>> -> memref<128xi32, #tpu.memory_space<hbm>>
        %dma_start3A_73 = arith.constant 0 : i32
        %dma_start3A_74 = tpu.memref_slice %arg9[%dma_start3A_73] : memref<144xi32, #tpu.memory_space<vmem>> -> memref<128xi32, #tpu.memory_space<vmem>>
        %dma_start3A_75 = tpu.memref_slice %arg4[%add3A_60] : memref<327680xi32, #tpu.memory_space<hbm>> -> memref<128xi32, #tpu.memory_space<hbm>>
        tpu.enqueue_dma source(%dma_start3A_75 : memref<128xi32, #tpu.memory_space<hbm>>) target(%dma_start3A_74 : memref<128xi32, #tpu.memory_space<vmem>>) target_semaphore(%run_scoped3A : memref<!tpu.dma_semaphore, #tpu.memory_space<semaphore_mem>>)
        %dma_wait3A_76 = arith.constant 0 : i32
        %dma_wait3A_77 = tpu.memref_slice %arg9[%dma_wait3A_76] : memref<144xi32, #tpu.memory_space<vmem>> -> memref<128xi32, #tpu.memory_space<vmem>>
        %dma_wait3A_78 = tpu.memref_slice %arg4[%add3A_60] : memref<327680xi32, #tpu.memory_space<hbm>> -> memref<128xi32, #tpu.memory_space<hbm>>
        %dma_wait3A_79 = arith.constant 0 : i32
        %dma_wait3A_80 = tpu.memref_slice %arg9[%dma_wait3A_79] : memref<144xi32, #tpu.memory_space<vmem>> -> memref<128xi32, #tpu.memory_space<vmem>>
        %dma_wait3A_81 = tpu.memref_slice %arg4[%add3A_60] : memref<327680xi32, #tpu.memory_space<hbm>> -> memref<128xi32, #tpu.memory_space<hbm>>
        tpu.wait_dma2 semaphore(%run_scoped3A : memref<!tpu.dma_semaphore, #tpu.memory_space<semaphore_mem>>) src(%dma_wait3A_81 : memref<128xi32, #tpu.memory_space<hbm>>) dst(%dma_wait3A_80 : memref<128xi32, #tpu.memory_space<vmem>>)
        tpu.yield
      }) : () -> ()
      %scan3A_61 = arith.constant 0 : i32
      %scan3A_62 = arith.constant 0 : i32
      %scan3A_63 = arith.constant 4 : i32
      %scan3A_64 = arith.addi %scan3A_62, %scan3A_63 : i32
      %scan3A_65 = arith.constant 1 : i32
      scf.for %scan3A_70 = %scan3A_62 to %scan3A_64 step %scan3A_65  : i32 {
        %broadcast_in_dim3A = arith.constant 0.000000e+00 : f32
        %broadcast_in_dim3A_71 = vector.broadcast %broadcast_in_dim3A : f32 to vector<16xf32>
        %broadcast_in_dim3A_72 = arith.constant 0.000000e+00 : f32
        %broadcast_in_dim3A_73 = vector.broadcast %broadcast_in_dim3A_72 : f32 to vector<16xf32>
        %broadcast_in_dim3A_74 = arith.constant 0.000000e+00 : f32
        %broadcast_in_dim3A_75 = vector.broadcast %broadcast_in_dim3A_74 : f32 to vector<16xf32>
        %broadcast_in_dim3A_76 = arith.constant 0.000000e+00 : f32
        %broadcast_in_dim3A_77 = vector.broadcast %broadcast_in_dim3A_76 : f32 to vector<16xf32>
        %broadcast_in_dim3A_78 = arith.constant 0.000000e+00 : f32
        %broadcast_in_dim3A_79 = vector.broadcast %broadcast_in_dim3A_78 : f32 to vector<16xf32>
        %broadcast_in_dim3A_80 = arith.constant 0.000000e+00 : f32
        %broadcast_in_dim3A_81 = vector.broadcast %broadcast_in_dim3A_80 : f32 to vector<16xf32>
        %broadcast_in_dim3A_82 = arith.constant 0.000000e+00 : f32
        %broadcast_in_dim3A_83 = vector.broadcast %broadcast_in_dim3A_82 : f32 to vector<16xf32>
        %broadcast_in_dim3A_84 = arith.constant 0.000000e+00 : f32
        %broadcast_in_dim3A_85 = vector.broadcast %broadcast_in_dim3A_84 : f32 to vector<16xf32>
        %scan3A_86 = arith.constant 0 : i32
        %scan3A_87 = arith.constant 32 : i32
        %scan3A_88 = arith.addi %scan3A_86, %scan3A_87 : i32
        %scan3A_89 = arith.constant 1 : i32
        %scan3A_90:8 = scf.for %scan3A_152 = %scan3A_86 to %scan3A_88 step %scan3A_89 iter_args(%scan3A_153 = %broadcast_in_dim3A_71, %scan3A_154 = %broadcast_in_dim3A_73, %scan3A_155 = %broadcast_in_dim3A_75, %scan3A_156 = %broadcast_in_dim3A_77, %scan3A_157 = %broadcast_in_dim3A_79, %scan3A_158 = %broadcast_in_dim3A_81, %scan3A_159 = %broadcast_in_dim3A_83, %scan3A_160 = %broadcast_in_dim3A_85) -> (vector<16xf32>, vector<16xf32>, vector<16xf32>, vector<16xf32>, vector<16xf32>, vector<16xf32>, vector<16xf32>, vector<16xf32>)  : i32 {
          %mul3A_161 = arith.constant 32 : i32
          %mul3A_162 = arith.muli %scan3A_70, %mul3A_161 : i32
          %add3A_163 = arith.addi %mul3A_162, %scan3A_152 : i32
          %get3A_164 = arith.index_cast %add3A_163 : i32 to index
          %get3A_165 = tpu.vector_load %arg9[%get3A_164] {strides = array<i32>} : memref<144xi32, #tpu.memory_space<vmem>>, vector<16xi32>,
          %get3A_166 = vector.shape_cast %get3A_165 : vector<16xi32> to vector<16xi32>
          %slice3A_167 = vector.extract_strided_slice %get3A_166 {offsets = [0], sizes = [1], strides = [1]} : vector<16xi32> to vector<1xi32>
          %squeeze3A_168 = vector.extract %slice3A_167[0] : i32 from vector<1xi32>
          %get3A_169 = arith.index_cast %add3A_163 : i32 to index
          %get3A_170 = arith.constant 0 : index
          %get3A_171 = tpu.vector_load %arg13[%get3A_169, %get3A_170] {strides = array<i32>} : memref<128x128xf32, #tpu.memory_space<vmem>>, vector<1x16xf32>,
          %get3A_172 = vector.shape_cast %get3A_171 : vector<1x16xf32> to vector<16xf32>
          %get3A_173 = arith.index_cast %squeeze3A_168 : i32 to index
          %get3A_174 = arith.constant 0 : index
          %get3A_175 = tpu.vector_load %arg11[%get3A_173, %get3A_174] {strides = array<i32>} : memref<32x128xf32, #tpu.memory_space<vmem>>, vector<1x16xf32>,
          %get3A_176 = vector.shape_cast %get3A_175 : vector<1x16xf32> to vector<16xf32>
          %mul3A_177 = arith.mulf %get3A_172, %get3A_176 : vector<16xf32>
          %add3A_178 = arith.addf %scan3A_153, %mul3A_177 : vector<16xf32>
          %get3A_179 = arith.index_cast %add3A_163 : i32 to index
          %get3A_180 = arith.constant 16 : index
          %get3A_181 = tpu.vector_load %arg13[%get3A_179, %get3A_180] {strides = array<i32>} : memref<128x128xf32, #tpu.memory_space<vmem>>, vector<1x16xf32>,
          %get3A_182 = vector.shape_cast %get3A_181 : vector<1x16xf32> to vector<16xf32>
          %get3A_183 = arith.index_cast %squeeze3A_168 : i32 to index
          %get3A_184 = arith.constant 16 : index
          %get3A_185 = tpu.vector_load %arg11[%get3A_183, %get3A_184] {strides = array<i32>} : memref<32x128xf32, #tpu.memory_space<vmem>>, vector<1x16xf32>,
          %get3A_186 = vector.shape_cast %get3A_185 : vector<1x16xf32> to vector<16xf32>
          %mul3A_187 = arith.mulf %get3A_182, %get3A_186 : vector<16xf32>
          %add3A_188 = arith.addf %scan3A_154, %mul3A_187 : vector<16xf32>
          %get3A_189 = arith.index_cast %add3A_163 : i32 to index
          %get3A_190 = arith.constant 32 : index
          %get3A_191 = tpu.vector_load %arg13[%get3A_189, %get3A_190] {strides = array<i32>} : memref<128x128xf32, #tpu.memory_space<vmem>>, vector<1x16xf32>,
          %get3A_192 = vector.shape_cast %get3A_191 : vector<1x16xf32> to vector<16xf32>
          %get3A_193 = arith.index_cast %squeeze3A_168 : i32 to index
          %get3A_194 = arith.constant 32 : index
          %get3A_195 = tpu.vector_load %arg11[%get3A_193, %get3A_194] {strides = array<i32>} : memref<32x128xf32, #tpu.memory_space<vmem>>, vector<1x16xf32>,
          %get3A_196 = vector.shape_cast %get3A_195 : vector<1x16xf32> to vector<16xf32>
          %mul3A_197 = arith.mulf %get3A_192, %get3A_196 : vector<16xf32>
          %add3A_198 = arith.addf %scan3A_155, %mul3A_197 : vector<16xf32>
          %get3A_199 = arith.index_cast %add3A_163 : i32 to index
          %get3A_200 = arith.constant 48 : index
          %get3A_201 = tpu.vector_load %arg13[%get3A_199, %get3A_200] {strides = array<i32>} : memref<128x128xf32, #tpu.memory_space<vmem>>, vector<1x16xf32>,
          %get3A_202 = vector.shape_cast %get3A_201 : vector<1x16xf32> to vector<16xf32>
          %get3A_203 = arith.index_cast %squeeze3A_168 : i32 to index
          %get3A_204 = arith.constant 48 : index
          %get3A_205 = tpu.vector_load %arg11[%get3A_203, %get3A_204] {strides = array<i32>} : memref<32x128xf32, #tpu.memory_space<vmem>>, vector<1x16xf32>,
          %get3A_206 = vector.shape_cast %get3A_205 : vector<1x16xf32> to vector<16xf32>
          %mul3A_207 = arith.mulf %get3A_202, %get3A_206 : vector<16xf32>
          %add3A_208 = arith.addf %scan3A_156, %mul3A_207 : vector<16xf32>
          %get3A_209 = arith.index_cast %add3A_163 : i32 to index
          %get3A_210 = arith.constant 64 : index
          %get3A_211 = tpu.vector_load %arg13[%get3A_209, %get3A_210] {strides = array<i32>} : memref<128x128xf32, #tpu.memory_space<vmem>>, vector<1x16xf32>,
          %get3A_212 = vector.shape_cast %get3A_211 : vector<1x16xf32> to vector<16xf32>
          %get3A_213 = arith.index_cast %squeeze3A_168 : i32 to index
          %get3A_214 = arith.constant 64 : index
          %get3A_215 = tpu.vector_load %arg11[%get3A_213, %get3A_214] {strides = array<i32>} : memref<32x128xf32, #tpu.memory_space<vmem>>, vector<1x16xf32>,
          %get3A_216 = vector.shape_cast %get3A_215 : vector<1x16xf32> to vector<16xf32>
          %mul3A_217 = arith.mulf %get3A_212, %get3A_216 : vector<16xf32>
          %add3A_218 = arith.addf %scan3A_157, %mul3A_217 : vector<16xf32>
          %get3A_219 = arith.index_cast %add3A_163 : i32 to index
          %get3A_220 = arith.constant 80 : index
          %get3A_221 = tpu.vector_load %arg13[%get3A_219, %get3A_220] {strides = array<i32>} : memref<128x128xf32, #tpu.memory_space<vmem>>, vector<1x16xf32>,
          %get3A_222 = vector.shape_cast %get3A_221 : vector<1x16xf32> to vector<16xf32>
          %get3A_223 = arith.index_cast %squeeze3A_168 : i32 to index
          %get3A_224 = arith.constant 80 : index
          %get3A_225 = tpu.vector_load %arg11[%get3A_223, %get3A_224] {strides = array<i32>} : memref<32x128xf32, #tpu.memory_space<vmem>>, vector<1x16xf32>,
          %get3A_226 = vector.shape_cast %get3A_225 : vector<1x16xf32> to vector<16xf32>
          %mul3A_227 = arith.mulf %get3A_222, %get3A_226 : vector<16xf32>
          %add3A_228 = arith.addf %scan3A_158, %mul3A_227 : vector<16xf32>
          %get3A_229 = arith.index_cast %add3A_163 : i32 to index
          %get3A_230 = arith.constant 96 : index
          %get3A_231 = tpu.vector_load %arg13[%get3A_229, %get3A_230] {strides = array<i32>} : memref<128x128xf32, #tpu.memory_space<vmem>>, vector<1x16xf32>,
          %get3A_232 = vector.shape_cast %get3A_231 : vector<1x16xf32> to vector<16xf32>
          %get3A_233 = arith.index_cast %squeeze3A_168 : i32 to index
          %get3A_234 = arith.constant 96 : index
          %get3A_235 = tpu.vector_load %arg11[%get3A_233, %get3A_234] {strides = array<i32>} : memref<32x128xf32, #tpu.memory_space<vmem>>, vector<1x16xf32>,
          %get3A_236 = vector.shape_cast %get3A_235 : vector<1x16xf32> to vector<16xf32>
          %mul3A_237 = arith.mulf %get3A_232, %get3A_236 : vector<16xf32>
          %add3A_238 = arith.addf %scan3A_159, %mul3A_237 : vector<16xf32>
          %get3A_239 = arith.index_cast %add3A_163 : i32 to index
          %get3A_240 = arith.constant 112 : index
          %get3A_241 = tpu.vector_load %arg13[%get3A_239, %get3A_240] {strides = array<i32>} : memref<128x128xf32, #tpu.memory_space<vmem>>, vector<1x16xf32>,
          %get3A_242 = vector.shape_cast %get3A_241 : vector<1x16xf32> to vector<16xf32>
          %get3A_243 = arith.index_cast %squeeze3A_168 : i32 to index
          %get3A_244 = arith.constant 112 : index
          %get3A_245 = tpu.vector_load %arg11[%get3A_243, %get3A_244] {strides = array<i32>} : memref<32x128xf32, #tpu.memory_space<vmem>>, vector<1x16xf32>,
          %get3A_246 = vector.shape_cast %get3A_245 : vector<1x16xf32> to vector<16xf32>
          %mul3A_247 = arith.mulf %get3A_242, %get3A_246 : vector<16xf32>
          %add3A_248 = arith.addf %scan3A_160, %mul3A_247 : vector<16xf32>
          scf.yield %add3A_178, %add3A_188, %add3A_198, %add3A_208, %add3A_218, %add3A_228, %add3A_238, %add3A_248 : vector<16xf32>, vector<16xf32>, vector<16xf32>, vector<16xf32>, vector<16xf32>, vector<16xf32>, vector<16xf32>, vector<16xf32>
        }
        %scan3A_91 = arith.constant 32 : i32
        %mul3A_92 = arith.constant 4 : i32
        %mul3A_93 = arith.muli %add3A_57, %mul3A_92 : i32
        %add3A_94 = arith.addi %mul3A_93, %scan3A_70 : i32
        %get3A = arith.index_cast %add3A_94 : i32 to index
        %get3A_95 = tpu.vector_load %arg10[%get3A] {strides = array<i32>} : memref<336xf32, #tpu.memory_space<vmem>>, vector<16xf32>,
        %get3A_96 = vector.shape_cast %get3A_95 : vector<16xf32> to vector<16xf32>
        %slice3A = vector.extract_strided_slice %get3A_96 {offsets = [0], sizes = [1], strides = [1]} : vector<16xf32> to vector<1xf32>
        %squeeze3A = vector.extract %slice3A[0] : f32 from vector<1xf32>
        %mul3A_97 = vector.broadcast %squeeze3A : f32 to vector<16xf32>
        %mul3A_98 = arith.mulf %scan3A_90#0, %mul3A_97 : vector<16xf32>
        %swap3A = arith.index_cast %scan3A_70 : i32 to index
        %swap3A_99 = arith.constant 0 : index
        %swap3A_100 = tpu.vector_load %arg14[%swap3A, %swap3A_99] {strides = array<i32>} : memref<4x128xf32, #tpu.memory_space<vmem>>, vector<1x16xf32>,
        %swap3A_101 = vector.shape_cast %swap3A_100 : vector<1x16xf32> to vector<16xf32>
        %swap3A_102 = vector.shape_cast %mul3A_98 : vector<16xf32> to vector<1x16xf32>
        tpu.vector_store %arg14[%swap3A, %swap3A_99], %swap3A_102 {strides = array<i32>} : memref<4x128xf32, #tpu.memory_space<vmem>>, vector<1x16xf32>,
        %mul3A_103 = vector.broadcast %squeeze3A : f32 to vector<16xf32>
        %mul3A_104 = arith.mulf %scan3A_90#1, %mul3A_103 : vector<16xf32>
        %swap3A_105 = arith.index_cast %scan3A_70 : i32 to index
        %swap3A_106 = arith.constant 16 : index
        %swap3A_107 = tpu.vector_load %arg14[%swap3A_105, %swap3A_106] {strides = array<i32>} : memref<4x128xf32, #tpu.memory_space<vmem>>, vector<1x16xf32>,
        %swap3A_108 = vector.shape_cast %swap3A_107 : vector<1x16xf32> to vector<16xf32>
        %swap3A_109 = vector.shape_cast %mul3A_104 : vector<16xf32> to vector<1x16xf32>
        tpu.vector_store %arg14[%swap3A_105, %swap3A_106], %swap3A_109 {strides = array<i32>} : memref<4x128xf32, #tpu.memory_space<vmem>>, vector<1x16xf32>,
        %mul3A_110 = vector.broadcast %squeeze3A : f32 to vector<16xf32>
        %mul3A_111 = arith.mulf %scan3A_90#2, %mul3A_110 : vector<16xf32>
        %swap3A_112 = arith.index_cast %scan3A_70 : i32 to index
        %swap3A_113 = arith.constant 32 : index
        %swap3A_114 = tpu.vector_load %arg14[%swap3A_112, %swap3A_113] {strides = array<i32>} : memref<4x128xf32, #tpu.memory_space<vmem>>, vector<1x16xf32>,
        %swap3A_115 = vector.shape_cast %swap3A_114 : vector<1x16xf32> to vector<16xf32>
        %swap3A_116 = vector.shape_cast %mul3A_111 : vector<16xf32> to vector<1x16xf32>
        tpu.vector_store %arg14[%swap3A_112, %swap3A_113], %swap3A_116 {strides = array<i32>} : memref<4x128xf32, #tpu.memory_space<vmem>>, vector<1x16xf32>,
        %mul3A_117 = vector.broadcast %squeeze3A : f32 to vector<16xf32>
        %mul3A_118 = arith.mulf %scan3A_90#3, %mul3A_117 : vector<16xf32>
        %swap3A_119 = arith.index_cast %scan3A_70 : i32 to index
        %swap3A_120 = arith.constant 48 : index
        %swap3A_121 = tpu.vector_load %arg14[%swap3A_119, %swap3A_120] {strides = array<i32>} : memref<4x128xf32, #tpu.memory_space<vmem>>, vector<1x16xf32>,
        %swap3A_122 = vector.shape_cast %swap3A_121 : vector<1x16xf32> to vector<16xf32>
        %swap3A_123 = vector.shape_cast %mul3A_118 : vector<16xf32> to vector<1x16xf32>
        tpu.vector_store %arg14[%swap3A_119, %swap3A_120], %swap3A_123 {strides = array<i32>} : memref<4x128xf32, #tpu.memory_space<vmem>>, vector<1x16xf32>,
        %mul3A_124 = vector.broadcast %squeeze3A : f32 to vector<16xf32>
        %mul3A_125 = arith.mulf %scan3A_90#4, %mul3A_124 : vector<16xf32>
        %swap3A_126 = arith.index_cast %scan3A_70 : i32 to index
        %swap3A_127 = arith.constant 64 : index
        %swap3A_128 = tpu.vector_load %arg14[%swap3A_126, %swap3A_127] {strides = array<i32>} : memref<4x128xf32, #tpu.memory_space<vmem>>, vector<1x16xf32>,
        %swap3A_129 = vector.shape_cast %swap3A_128 : vector<1x16xf32> to vector<16xf32>
        %swap3A_130 = vector.shape_cast %mul3A_125 : vector<16xf32> to vector<1x16xf32>
        tpu.vector_store %arg14[%swap3A_126, %swap3A_127], %swap3A_130 {strides = array<i32>} : memref<4x128xf32, #tpu.memory_space<vmem>>, vector<1x16xf32>,
        %mul3A_131 = vector.broadcast %squeeze3A : f32 to vector<16xf32>
        %mul3A_132 = arith.mulf %scan3A_90#5, %mul3A_131 : vector<16xf32>
        %swap3A_133 = arith.index_cast %scan3A_70 : i32 to index
        %swap3A_134 = arith.constant 80 : index
        %swap3A_135 = tpu.vector_load %arg14[%swap3A_133, %swap3A_134] {strides = array<i32>} : memref<4x128xf32, #tpu.memory_space<vmem>>, vector<1x16xf32>,
        %swap3A_136 = vector.shape_cast %swap3A_135 : vector<1x16xf32> to vector<16xf32>
        %swap3A_137 = vector.shape_cast %mul3A_132 : vector<16xf32> to vector<1x16xf32>
        tpu.vector_store %arg14[%swap3A_133, %swap3A_134], %swap3A_137 {strides = array<i32>} : memref<4x128xf32, #tpu.memory_space<vmem>>, vector<1x16xf32>,
        %mul3A_138 = vector.broadcast %squeeze3A : f32 to vector<16xf32>
        %mul3A_139 = arith.mulf %scan3A_90#6, %mul3A_138 : vector<16xf32>
        %swap3A_140 = arith.index_cast %scan3A_70 : i32 to index
        %swap3A_141 = arith.constant 96 : index
        %swap3A_142 = tpu.vector_load %arg14[%swap3A_140, %swap3A_141] {strides = array<i32>} : memref<4x128xf32, #tpu.memory_space<vmem>>, vector<1x16xf32>,
        %swap3A_143 = vector.shape_cast %swap3A_142 : vector<1x16xf32> to vector<16xf32>
        %swap3A_144 = vector.shape_cast %mul3A_139 : vector<16xf32> to vector<1x16xf32>
        tpu.vector_store %arg14[%swap3A_140, %swap3A_141], %swap3A_144 {strides = array<i32>} : memref<4x128xf32, #tpu.memory_space<vmem>>, vector<1x16xf32>,
        %mul3A_145 = vector.broadcast %squeeze3A : f32 to vector<16xf32>
        %mul3A_146 = arith.mulf %scan3A_90#7, %mul3A_145 : vector<16xf32>
        %swap3A_147 = arith.index_cast %scan3A_70 : i32 to index
        %swap3A_148 = arith.constant 112 : index
        %swap3A_149 = tpu.vector_load %arg14[%swap3A_147, %swap3A_148] {strides = array<i32>} : memref<4x128xf32, #tpu.memory_space<vmem>>, vector<1x16xf32>,
        %swap3A_150 = vector.shape_cast %swap3A_149 : vector<1x16xf32> to vector<16xf32>
        %swap3A_151 = vector.shape_cast %mul3A_146 : vector<16xf32> to vector<1x16xf32>
        tpu.vector_store %arg14[%swap3A_147, %swap3A_148], %swap3A_151 {strides = array<i32>} : memref<4x128xf32, #tpu.memory_space<vmem>>, vector<1x16xf32>,
      }
      %scan3A_66 = arith.constant 4 : i32
      %mul3A_67 = arith.constant 4 : i32
      %mul3A_68 = arith.muli %add3A_57, %mul3A_67 : i32
      %add3A_69 = arith.addi %mul3A_4, %mul3A_68 : i32
      "tpu.region"() ({
        %run_scoped3A = tpu.sem_alloc : memref<!tpu.dma_semaphore, #tpu.memory_space<semaphore_mem>>
        %dma_start3A_70 = arith.constant 0 : i32
        %dma_start3A_71 = tpu.memref_slice %arg7[%add3A_69, %dma_start3A_70] : memref<10240x128xf32, #tpu.memory_space<hbm>> -> memref<4x128xf32, #tpu.memory_space<hbm>>
        %dma_start3A_72 = arith.constant 0 : i32
        %dma_start3A_73 = tpu.memref_slice %arg7[%add3A_69, %dma_start3A_72] : memref<10240x128xf32, #tpu.memory_space<hbm>> -> memref<4x128xf32, #tpu.memory_space<hbm>>
        tpu.enqueue_dma source(%arg14 : memref<4x128xf32, #tpu.memory_space<vmem>>) target(%dma_start3A_73 : memref<4x128xf32, #tpu.memory_space<hbm>>) target_semaphore(%run_scoped3A : memref<!tpu.dma_semaphore, #tpu.memory_space<semaphore_mem>>)
        %dma_wait3A_74 = arith.constant 0 : i32
        %dma_wait3A_75 = tpu.memref_slice %arg7[%add3A_69, %dma_wait3A_74] : memref<10240x128xf32, #tpu.memory_space<hbm>> -> memref<4x128xf32, #tpu.memory_space<hbm>>
        %dma_wait3A_76 = arith.constant 0 : i32
        %dma_wait3A_77 = tpu.memref_slice %arg7[%add3A_69, %dma_wait3A_76] : memref<10240x128xf32, #tpu.memory_space<hbm>> -> memref<4x128xf32, #tpu.memory_space<hbm>>
        tpu.wait_dma2 semaphore(%run_scoped3A : memref<!tpu.dma_semaphore, #tpu.memory_space<semaphore_mem>>) src(%arg14 : memref<4x128xf32, #tpu.memory_space<vmem>>) dst(%dma_wait3A_77 : memref<4x128xf32, #tpu.memory_space<hbm>>)
        tpu.yield
      }) : () -> ()
    }
    %scan3A_15 = arith.constant 40 : i32
    return
  }
}

module attributes {stable_mosaic.version = 14 : i64} {
  func.func @_tc_matmul_stats(%arg0: i32, %arg1: memref<2048x128xf32, #tpu.memory_space<vmem>>, %arg2: memref<128x128xf32, #tpu.memory_space<vmem>>, %arg3: memref<1x128xf32, #tpu.memory_space<vmem>>, %arg4: memref<2048x128xf32, #tpu.memory_space<vmem>>, %arg5: memref<8x128xf32, #tpu.memory_space<vmem>>) attributes {dimension_semantics = [#tpu.dimension_semantics<arbitrary>], iteration_bounds = array<i64: 5>, scalar_prefetch = 0 : i64, scratch_operands = 0 : i64, tpu.core_type = #tpu.core_type<tc>, window_params = [{transform_indices = @transform_0, window_bounds = array<i64: 2048, 128>}, {pipeline_mode = #tpu.pipeline_mode<synchronous>, transform_indices = @transform_1, window_bounds = array<i64: 128, 128>}, {pipeline_mode = #tpu.pipeline_mode<synchronous>, transform_indices = @transform_2, window_bounds = array<i64: 1, 128>}, {transform_indices = @transform_3, window_bounds = array<i64: 2048, 128>}, {pipeline_mode = #tpu.pipeline_mode<synchronous>, transform_indices = @transform_4, window_bounds = array<i64: 8, 128>}]} {
    %get3A = arith.constant 0 : index
    %get3A_0 = arith.constant 0 : index
    %get3A_1 = vector.load %arg1[%get3A, %get3A_0] : memref<2048x128xf32, #tpu.memory_space<vmem>>, vector<2048x128xf32>
    %get3A_2 = arith.constant 0 : index
    %get3A_3 = arith.constant 0 : index
    %get3A_4 = vector.load %arg2[%get3A_2, %get3A_3] : memref<128x128xf32, #tpu.memory_space<vmem>>, vector<128x128xf32>
    %dot_general3A = arith.constant dense<0.000000e+00> : vector<2048x128xf32>
    %dot_general3A_5 = tpu.matmul %get3A_1, %get3A_4, %dot_general3A {dimension_numbers = #tpu.dot_dimension_numbers<[1], [0], [0], [1], [0, 0, 1, 1], [], []>, transpose_lhs_hint = false} : vector<2048x128xf32>, vector<128x128xf32>, vector<2048x128xf32> -> vector<2048x128xf32>
    %get3A_6 = arith.constant 0 : index
    %get3A_7 = arith.constant 0 : index
    %get3A_8 = vector.load %arg3[%get3A_6, %get3A_7] : memref<1x128xf32, #tpu.memory_space<vmem>>, vector<1x128xf32>
    %add3A = vector.broadcast %get3A_8 : vector<1x128xf32> to vector<2048x128xf32>
    %add3A_9 = arith.addf %dot_general3A_5, %add3A : vector<2048x128xf32>
    %max3A = arith.constant 0.000000e+00 : f32
    %max3A_10 = vector.broadcast %max3A : f32 to vector<2048x128xf32>
    %max3A_11 = arith.maximumf %add3A_9, %max3A_10 : vector<2048x128xf32>
    %swap3A = arith.constant 0 : index
    %swap3A_12 = arith.constant 0 : index
    %swap3A_13 = vector.load %arg4[%swap3A, %swap3A_12] : memref<2048x128xf32, #tpu.memory_space<vmem>>, vector<2048x128xf32>
    tpu.vector_store %arg4[%swap3A, %swap3A_12], %max3A_11 {strides = array<i32>} : memref<2048x128xf32, #tpu.memory_space<vmem>>, vector<2048x128xf32>,
    %iota3A = tpu.iota {dimensions = array<i32: 0>} : vector<2048x1xi32>
    %mul3A = arith.constant 2048 : i32
    %mul3A_14 = arith.muli %arg0, %mul3A : i32
    %add3A_15 = vector.broadcast %mul3A_14 : i32 to vector<2048x1xi32>
    %add3A_16 = arith.addi %iota3A, %add3A_15 : vector<2048x1xi32>
    %lt3A = arith.constant 10000 : i32
    %lt3A_17 = vector.broadcast %lt3A : i32 to vector<2048x1xi32>
    %lt3A_18 = arith.cmpi slt, %add3A_16, %lt3A_17 : vector<2048x1xi32>
    %jit3A = arith.constant 0.000000e+00 : f32
    %broadcast_in_dim3A = vector.shape_cast %lt3A_18 : vector<2048x1xi1> to vector<2048x1xi1>
    %broadcast_in_dim3A_19 = vector.broadcast %broadcast_in_dim3A : vector<2048x1xi1> to vector<2048x128xi1>
    %broadcast_in_dim3A_20 = vector.broadcast %jit3A : f32 to vector<2048x128xf32>
    %select_n3A = arith.select %broadcast_in_dim3A_19, %max3A_11, %broadcast_in_dim3A_20 : vector<2048x128xi1>, vector<2048x128xf32>
    %eq3A = arith.constant 0 : i32
    %eq3A_21 = arith.cmpi eq, %arg0, %eq3A : i32
    %convert_element_type3A = arith.extui %eq3A_21 : i1 to i32
    %cond3A = arith.constant 0 : i32
    %cond3A_22 = arith.cmpi ne, %convert_element_type3A, %cond3A : i32
    scf.if %cond3A_22 {
      %broadcast_in_dim3A_43 = arith.constant 0.000000e+00 : f32
      %broadcast_in_dim3A_44 = vector.broadcast %broadcast_in_dim3A_43 : f32 to vector<8x128xf32>
      %swap3A_45 = arith.constant 0 : index
      %swap3A_46 = arith.constant 0 : index
      %swap3A_47 = vector.load %arg5[%swap3A_45, %swap3A_46] : memref<8x128xf32, #tpu.memory_space<vmem>>, vector<8x128xf32>
      tpu.vector_store %arg5[%swap3A_45, %swap3A_46], %broadcast_in_dim3A_44 {strides = array<i32>} : memref<8x128xf32, #tpu.memory_space<vmem>>, vector<8x128xf32>,
    } else {
    }
    %get3A_23 = arith.constant 0 : index
    %get3A_24 = arith.constant 0 : index
    %get3A_25 = vector.load %arg5[%get3A_23, %get3A_24] : memref<8x128xf32, #tpu.memory_space<vmem>>, vector<1x128xf32>
    %reduce_sum3A = arith.constant dense<0.000000e+00> : vector<128xf32>
    %reduce_sum3A_26 = vector.multi_reduction <add>, %select_n3A, %reduce_sum3A [0] : vector<2048x128xf32> to vector<128xf32>
    %broadcast_in_dim3A_27 = vector.shape_cast %reduce_sum3A_26 : vector<128xf32> to vector<1x128xf32>
    %add3A_28 = arith.addf %get3A_25, %broadcast_in_dim3A_27 : vector<1x128xf32>
    %swap3A_29 = arith.constant 0 : index
    %swap3A_30 = arith.constant 0 : index
    %swap3A_31 = vector.load %arg5[%swap3A_29, %swap3A_30] : memref<8x128xf32, #tpu.memory_space<vmem>>, vector<1x128xf32>
    tpu.vector_store %arg5[%swap3A_29, %swap3A_30], %add3A_28 {strides = array<i32>} : memref<8x128xf32, #tpu.memory_space<vmem>>, vector<1x128xf32>,
    %get3A_32 = arith.constant 1 : index
    %get3A_33 = arith.constant 0 : index
    %get3A_34 = vector.load %arg5[%get3A_32, %get3A_33] : memref<8x128xf32, #tpu.memory_space<vmem>>, vector<1x128xf32>
    %mul3A_35 = arith.mulf %select_n3A, %select_n3A : vector<2048x128xf32>
    %reduce_sum3A_36 = arith.constant dense<0.000000e+00> : vector<128xf32>
    %reduce_sum3A_37 = vector.multi_reduction <add>, %mul3A_35, %reduce_sum3A_36 [0] : vector<2048x128xf32> to vector<128xf32>
    %broadcast_in_dim3A_38 = vector.shape_cast %reduce_sum3A_37 : vector<128xf32> to vector<1x128xf32>
    %add3A_39 = arith.addf %get3A_34, %broadcast_in_dim3A_38 : vector<1x128xf32>
    %swap3A_40 = arith.constant 1 : index
    %swap3A_41 = arith.constant 0 : index
    %swap3A_42 = vector.load %arg5[%swap3A_40, %swap3A_41] : memref<8x128xf32, #tpu.memory_space<vmem>>, vector<1x128xf32>
    tpu.vector_store %arg5[%swap3A_40, %swap3A_41], %add3A_39 {strides = array<i32>} : memref<8x128xf32, #tpu.memory_space<vmem>>, vector<1x128xf32>,
    return
  }
  func.func @transform_0(%arg0: i32) -> (i32, i32) {
    %c0_i32 = arith.constant 0 : i32
    %c0_i32_0 = arith.constant 0 : i32
    return %arg0, %c0_i32 : i32, i32
  }
  func.func @transform_1(%arg0: i32) -> (i32, i32) {
    %c0_i32 = arith.constant 0 : i32
    %c0_i32_0 = arith.constant 0 : i32
    %c0_i32_1 = arith.constant 0 : i32
    return %c0_i32, %c0_i32_0 : i32, i32
  }
  func.func @transform_2(%arg0: i32) -> (i32, i32) {
    %c0_i32 = arith.constant 0 : i32
    %c0_i32_0 = arith.constant 0 : i32
    %c0_i32_1 = arith.constant 0 : i32
    return %c0_i32, %c0_i32_0 : i32, i32
  }
  func.func @transform_3(%arg0: i32) -> (i32, i32) {
    %c0_i32 = arith.constant 0 : i32
    %c0_i32_0 = arith.constant 0 : i32
    return %arg0, %c0_i32 : i32, i32
  }
  func.func @transform_4(%arg0: i32) -> (i32, i32) {
    %c0_i32 = arith.constant 0 : i32
    %c0_i32_0 = arith.constant 0 : i32
    %c0_i32_1 = arith.constant 0 : i32
    return %c0_i32, %c0_i32_0 : i32, i32
  }
}

module attributes {stable_mosaic.version = 14 : i64} {
  func.func @_tc_normalize(%arg0: i32, %arg1: memref<2048x128xf32, #tpu.memory_space<vmem>>, %arg2: memref<8x128xf32, #tpu.memory_space<vmem>>, %arg3: memref<1x128xf32, #tpu.memory_space<vmem>>, %arg4: memref<1x128xf32, #tpu.memory_space<vmem>>, %arg5: memref<2048x128xf32, #tpu.memory_space<vmem>>) attributes {dimension_semantics = [#tpu.dimension_semantics<arbitrary>], iteration_bounds = array<i64: 5>, scalar_prefetch = 0 : i64, scratch_operands = 0 : i64, tpu.core_type = #tpu.core_type<tc>, window_params = [{transform_indices = @transform_0, window_bounds = array<i64: 2048, 128>}, {pipeline_mode = #tpu.pipeline_mode<synchronous>, transform_indices = @transform_1, window_bounds = array<i64: 8, 128>}, {pipeline_mode = #tpu.pipeline_mode<synchronous>, transform_indices = @transform_2, window_bounds = array<i64: 1, 128>}, {pipeline_mode = #tpu.pipeline_mode<synchronous>, transform_indices = @transform_3, window_bounds = array<i64: 1, 128>}, {transform_indices = @transform_4, window_bounds = array<i64: 2048, 128>}]} {
    %get3A = arith.constant 0 : index
    %get3A_0 = arith.constant 0 : index
    %get3A_1 = vector.load %arg2[%get3A, %get3A_0] : memref<8x128xf32, #tpu.memory_space<vmem>>, vector<1x128xf32>
    %get3A_2 = arith.constant 1 : index
    %get3A_3 = arith.constant 0 : index
    %get3A_4 = vector.load %arg2[%get3A_2, %get3A_3] : memref<8x128xf32, #tpu.memory_space<vmem>>, vector<1x128xf32>
    %mul3A = arith.constant 9.99999974E-5 : f32
    %mul3A_5 = vector.broadcast %mul3A : f32 to vector<1x128xf32>
    %mul3A_6 = arith.mulf %get3A_1, %mul3A_5 : vector<1x128xf32>
    %mul3A_7 = arith.constant 9.99999974E-5 : f32
    %mul3A_8 = vector.broadcast %mul3A_7 : f32 to vector<1x128xf32>
    %mul3A_9 = arith.mulf %get3A_4, %mul3A_8 : vector<1x128xf32>
    %mul3A_10 = arith.mulf %mul3A_6, %mul3A_6 : vector<1x128xf32>
    %sub3A = arith.subf %mul3A_9, %mul3A_10 : vector<1x128xf32>
    %get3A_11 = arith.constant 0 : index
    %get3A_12 = arith.constant 0 : index
    %get3A_13 = vector.load %arg3[%get3A_11, %get3A_12] : memref<1x128xf32, #tpu.memory_space<vmem>>, vector<1x128xf32>
    %add3A = arith.constant 1.000000e-03 : f32
    %add3A_14 = vector.broadcast %add3A : f32 to vector<1x128xf32>
    %add3A_15 = arith.addf %sub3A, %add3A_14 : vector<1x128xf32>
    %rsqrt3A = math.rsqrt %add3A_15 : vector<1x128xf32>
    %mul3A_16 = arith.mulf %get3A_13, %rsqrt3A : vector<1x128xf32>
    %get3A_17 = arith.constant 0 : index
    %get3A_18 = arith.constant 0 : index
    %get3A_19 = vector.load %arg1[%get3A_17, %get3A_18] : memref<2048x128xf32, #tpu.memory_space<vmem>>, vector<2048x128xf32>
    %mul3A_20 = vector.broadcast %mul3A_16 : vector<1x128xf32> to vector<2048x128xf32>
    %mul3A_21 = arith.mulf %get3A_19, %mul3A_20 : vector<2048x128xf32>
    %get3A_22 = arith.constant 0 : index
    %get3A_23 = arith.constant 0 : index
    %get3A_24 = vector.load %arg4[%get3A_22, %get3A_23] : memref<1x128xf32, #tpu.memory_space<vmem>>, vector<1x128xf32>
    %mul3A_25 = arith.mulf %mul3A_6, %mul3A_16 : vector<1x128xf32>
    %sub3A_26 = arith.subf %get3A_24, %mul3A_25 : vector<1x128xf32>
    %add3A_27 = vector.broadcast %sub3A_26 : vector<1x128xf32> to vector<2048x128xf32>
    %add3A_28 = arith.addf %mul3A_21, %add3A_27 : vector<2048x128xf32>
    %swap3A = arith.constant 0 : index
    %swap3A_29 = arith.constant 0 : index
    %swap3A_30 = vector.load %arg5[%swap3A, %swap3A_29] : memref<2048x128xf32, #tpu.memory_space<vmem>>, vector<2048x128xf32>
    tpu.vector_store %arg5[%swap3A, %swap3A_29], %add3A_28 {strides = array<i32>} : memref<2048x128xf32, #tpu.memory_space<vmem>>, vector<2048x128xf32>,
    return
  }
  func.func @transform_0(%arg0: i32) -> (i32, i32) {
    %c0_i32 = arith.constant 0 : i32
    %c0_i32_0 = arith.constant 0 : i32
    return %arg0, %c0_i32 : i32, i32
  }
  func.func @transform_1(%arg0: i32) -> (i32, i32) {
    %c0_i32 = arith.constant 0 : i32
    %c0_i32_0 = arith.constant 0 : i32
    %c0_i32_1 = arith.constant 0 : i32
    return %c0_i32, %c0_i32_0 : i32, i32
  }
  func.func @transform_2(%arg0: i32) -> (i32, i32) {
    %c0_i32 = arith.constant 0 : i32
    %c0_i32_0 = arith.constant 0 : i32
    %c0_i32_1 = arith.constant 0 : i32
    return %c0_i32, %c0_i32_0 : i32, i32
  }
  func.func @transform_3(%arg0: i32) -> (i32, i32) {
    %c0_i32 = arith.constant 0 : i32
    %c0_i32_0 = arith.constant 0 : i32
    %c0_i32_1 = arith.constant 0 : i32
    return %c0_i32, %c0_i32_0 : i32, i32
  }
  func.func @transform_4(%arg0: i32) -> (i32, i32) {
    %c0_i32 = arith.constant 0 : i32
    %c0_i32_0 = arith.constant 0 : i32
    return %arg0, %c0_i32 : i32, i32
  }
}

</mosaic_0001>

<sc_bundles>
// kernel: kernel.5.cloned.1.call-start
scs
__scs_entry_jumppad:
0x0: {  	(pc) =	sbr.rel $0x88, $3  }
0x1: {  	(tag) =	ssettag $0x0;
	lr =	simm.s32 $0x1  }
0x2: {  	[smem:$0x3F98] =	sst lr;
	_ =	strace $0xD0000000  }
0x3: {  	_ = 	snop  }
0x4: {  	_ = 	snop  }
0x5: {  	_ = 	snop  }
0x6: {  	_ = 	snop  }
0x7: {  	_ = 	snop  }
__scs_overlays_trampoline_lowered:
0x8: {  	[smem:$0x3FA7] =	sst s0  }
0x9: {  	[smem:$0x3FA8] =	sst s1  }
0xa: {  	[smem:$0x3FA9] =	sst s2  }
0xb: {  	[smem:$0x3FAA] =	sst s3  }
0xc: {  	[smem:$0x3FAB] =	sst s4  }
0xd: {  	[smem:$0x3FAC] =	sst s5  }
0xe: {  	[smem:$0x3FAD] =	sst s6  }
0xf: {  	[smem:$0x3FAE] =	sst s7  }
0x10: {  	[smem:$0x3FAF] =	sst s8  }
0x11: {  	[smem:$0x3FB0] =	sst s9;
	s0 =	simm.s32 @!p0 $0x0  }
0x12: {  	s1 =	sld [smem:$0x3F96];
	s0 =	simm.s32 @p0 $0x1  }
0x13: {  	[smem:$0x3FB1] =	sst s0;
	s0 =	simm.s32 @!p1 $0x0  }
0x14: {  	s2 =	sld [smem:$0x3F95];
	s0 =	simm.s32 @p1 $0x1  }
0x15: {  	[smem:$0x3FB2] =	sst s0;
	s0 =	simm.s32 @!p2 $0x0  }
0x16: {  	s3 =	sld [smem:$0x3FDB];
	s0 =	simm.s32 @p2 $0x1  }
0x17: {  	s4 =	simm.s32 $0x1BF5;
	[smem:$0x3FB4] =	sst s0  }
0x18: {  	s0 =	sld [smem:$0x3F97];
	_ =	swait.ge [sflag:s4], $0x0  }
0x19: {  	s7 =	sld [smem:$0x3F98]  }
0x1a: {  	s8 =	sadd.s32 $0xFFFFE003, lr  }
0x1b: {  	s9 =	sadd.s32 $0xFFFFFEF7, lr;
	s5 =	simm.s32 $0xFFFFFFFF;
	p2 =	slt.u32 s8, $0xFFFFF086  }
0x1c: {  	p1 =	slt.u32 s9, $0xF7A;
	s5 =	simm.s32 @!p2 $0x0  }
0x1d: {  	s5 =	simm.s32 @p1 $0x1;
	p0 =	seq.s32 s7, s2  }
0x1e: {  	s7 =	smul.u32 @!p0 $0xF7A, s2;
	p2 =	seq.s32 @!p0 s5, $0x0  }
0x1f: {  	s9 =	smul.u32 $0xF7A, s1;
	s8 =	simm.s32 @!p0 $0x1BF5;
	p2 =	por !p2, p0  }
0x20: {  	[sflag:s8] =	ssyncset.s32 @!p0 $0xFFFFF086;
	s6 =	sadd.s32 @!p0 s3, s7;
	s7 =	simm.s32 @!p0 $0x108  }
0x21: {  	s3 =	sadd.s32 s3, s9;
	s6 =	sadd.s32 @!p0 $0x88, s6;
	s7 =	simm.s32 @p2 $0x1082  }
0x22: {  	[simem:s7], [sflag:s8] =	dma.local @!p0 [hbm:s6], $0xF7A  }
0x23: {  	s9 =	sor.u32 $0xD0000000, s2;
	s6 =	simm.s32 $0x108;
	_ =	swait.ge @!p0 [sflag:s8], $0x0  }
0x24: {  	s3 =	sadd.s32 $0x88, s3;
	s6 =	simm.s32 @!p1 $0x1082;
	[sflag:s4] =	ssyncset.s32 $0xFFFFF086  }
0x25: {  	[simem:s6], [sflag:s4] =	dma.local [hbm:s3], $0xF7A  }
0x26: {  	[smem:$0x3F98] =	sst s1;
	(tag) =	ssettag s2;
	_ =	strace s9  }
0x27: {  	s1 =	sld [smem:$0x3FA8]  }
0x28: {  	s2 =	sld [smem:$0x3FA9]  }
0x29: {  	s4 =	sld [smem:$0x3FAB]  }
0x2a: {  	p0 =	seq.s32 s5, $0x0;
	s5 =	sld [smem:$0x3FAC]  }
0x2b: {  	s6 =	sld [smem:$0x3FAD]  }
0x2c: {  	s7 =	sld [smem:$0x3FAE]  }
0x2d: {  	s3 =	simm.s32 $0x108;
	s8 =	sld [smem:$0x3FAF]  }
0x2e: {  	s3 =	simm.s32 @!p0 $0x1082;
	s9 =	sld [smem:$0x3FB0]  }
0x2f: {  	lr =	sadd.s32 s0, s3;
	s0 =	sld [smem:$0x3FA7]  }
0x30: {  	s3 =	sld [smem:$0x3FAA]  }
0x31: {  	[smem:$0x3FB3] =	sst s10  }
0x32: {  	s10 =	sld [smem:$0x3FB1];
	_ =	sdelay $0x3  }
0x33: {  	p0 =	seq.s32 s10, $0x1;
	s10 =	sld [smem:$0x3FB3];
	_ =	sdelay $0x3  }
0x34: {  	[smem:$0x3FB3] =	sst s10  }
0x35: {  	s10 =	sld [smem:$0x3FB2];
	_ =	sdelay $0x3  }
0x36: {  	p1 =	seq.s32 s10, $0x1;
	s10 =	sld [smem:$0x3FB3];
	_ =	sdelay $0x3  }
0x37: {  	[smem:$0x3FB3] =	sst s10  }
0x38: {  	s10 =	sld [smem:$0x3FB4]  }
0x39: {  	_ = 	snop;
	(pc) =	sbr.ind lr, $3  }
0x3a: {  	_ = 	snop  }
0x3b: {  	_ = 	snop  }
0x3c: {  	p2 =	seq.s32 s10, $0x1;
	s10 =	sld [smem:$0x3FB3]  }
0x3d: {  	_ =	shalt  }
0x3e: {  	_ =	shalt  }
0x3f: {  	_ =	shalt  }
0x40: {  	_ =	shalt  }
0x41: {  	_ =	shalt  }
0x42: {  	_ =	shalt  }
0x43: {  	_ =	shalt  }
0x44: {  	_ =	shalt  }
0x45: {  	_ =	shalt  }
0x46: {  	_ =	shalt  }
0x47: {  	_ =	shalt  }
0x48: {  	_ =	shalt  }
0x49: {  	_ =	shalt  }
0x4a: {  	_ =	shalt  }
0x4b: {  	_ =	shalt  }
0x4c: {  	_ =	shalt  }
0x4d: {  	_ =	shalt  }
0x4e: {  	_ =	shalt  }
0x4f: {  	_ =	shalt  }
0x50: {  	_ =	shalt  }
0x51: {  	_ =	shalt  }
0x52: {  	_ =	shalt  }
0x53: {  	_ =	shalt  }
0x54: {  	_ =	shalt  }
0x55: {  	_ =	shalt  }
0x56: {  	_ =	shalt  }
0x57: {  	_ =	shalt  }
0x58: {  	_ =	shalt  }
0x59: {  	_ =	shalt  }
0x5a: {  	_ =	shalt  }
0x5b: {  	_ =	shalt  }
0x5c: {  	_ =	shalt  }
0x5d: {  	_ =	shalt  }
0x5e: {  	_ =	shalt  }
0x5f: {  	_ =	shalt  }
0x60: {  	_ =	shalt  }
0x61: {  	_ =	shalt  }
0x62: {  	_ =	shalt  }
0x63: {  	_ =	shalt  }
0x64: {  	_ =	shalt  }
0x65: {  	_ =	shalt  }
0x66: {  	_ =	shalt  }
0x67: {  	_ =	shalt  }
0x68: {  	_ =	shalt  }
0x69: {  	_ =	shalt  }
0x6a: {  	_ =	shalt  }
0x6b: {  	_ =	shalt  }
0x6c: {  	_ =	shalt  }
0x6d: {  	_ =	shalt  }
0x6e: {  	_ =	shalt  }
0x6f: {  	_ =	shalt  }
0x70: {  	_ =	shalt  }
0x71: {  	_ =	shalt  }
0x72: {  	_ =	shalt  }
0x73: {  	_ =	shalt  }
0x74: {  	_ =	shalt  }
0x75: {  	_ =	shalt  }
0x76: {  	_ =	shalt  }
0x77: {  	_ =	shalt  }
0x78: {  	_ =	shalt  }
0x79: {  	_ =	shalt  }
0x7a: {  	_ =	shalt  }
0x7b: {  	_ =	shalt  }
0x7c: {  	_ =	shalt  }
0x7d: {  	_ =	shalt  }
0x7e: {  	_ =	shalt  }
0x7f: {  	_ =	shalt  }
0x80: {  	_ =	shalt  }
0x81: {  	_ =	shalt  }
0x82: {  	_ =	shalt  }
0x83: {  	_ =	shalt  }
0x84: {  	_ =	shalt  }
0x85: {  	_ =	shalt  }
0x86: {  	_ =	shalt  }
0x87: {  	_ =	shalt  }
.Lfunc_end0:
.L_simem_size_0:
called_computation_lowered:
.L_overlay_start_0:
0x88: {  	s2 =	sld [smem:$0x3FD9]  }
0x89: {  	s3 =	sld [smem:$0x3FFE];
	_ =	sdelay $0x1  }
0x8a: {  	s1 =	srdreg.scid  }
0x8b: {  	s0 =	sand.u32 $0x1, s1  }
0x8c: {  	s17 =	sshll.u32 s0, $0xA;
	s2 =	sadd.s32 s3, s2  }
0x8d: {  	s2 =	sadd.s32 s2, s17  }
0x8e: {  	[smem:$0x3FBF] =	sst s2  }
0x8f: {  	_ = 	snop  }
0x90: {  	s2 =	sld [smem:$0x3FD0];
	(tm) =	ssettm $0x1  }
0x91: {  	s18 =	sld [smem:$0x3FFB];
	_ =	sdelay $0x3  }
0x92: {  	_ =	strace s18  }
0x93: {  	s3 =	sld [smem:$0x3FFC];
	_ =	sdelay $0x3  }
0x94: {  	_ =	strace s3  }
0x95: {  	s3 =	sld [smem:$0x3FFD];
	_ =	sdelay $0x3  }
0x96: {  	_ =	strace s3  }
0x97: {  	_ =	strace $0x8FFFFFFF  }
0x98: {  	s19 =	sld [smem:$0x3FDB];
	_ =	sdelay $0x1  }
0x99: {  	s4 =	simm.s32 $_scs_section_size  }
0x9a: {  	s5 =	simm.s32 $_size__tile_overlayer_lowered;
	s6 =	simm.s32 $_tile_overlayer_lowered  }
0x9b: {  	s22 =	simm.s32 $0x1BFF;
	s21 =	sshll.u32 s6, $0x1;
	s3 =	sadd.s32 s4, s19  }
0x9c: {  	s7 =	simm.s32 $0x0;
	s20 =	sshll.u32 s5, $0x1;
	s5 =	sadd.s32 s21, s3  }
0x9d: {  	[timem:s7], [sflag:s22] =	dma.local [hbm:s5], s20  }
0x9e: {  	_ =	swait.ge [sflag:s22], s20  }
0x9f: {  	s4 =	ssub.s32 $0x0, s20;
	[sflag:s22] =	ssyncset.done $0x0  }
0xa0: {  	[sflag:s22] =	ssyncadd.s32 s4;
	_ =	sdelay $0x1  }
0xa1: {  	s23 =	simm.s32 $0x1B8B  }
0xa2: {  	_ =	swait.ge [sflag:s23], $0x1  }
0xa3: {  	[sflag:s23] =	ssyncset.done $0x0  }
0xa4: {  	s25 =	simm.s32 $0x1B8E;
	s24 =	sld [smem:$0x3FFE];
	[sflag:s23] =	ssyncadd.s32 $0xFFFFFFFF  }
0xa5: {  	s26 =	simm.s32 $execute0_lowered;
	[smem:$0x3FD2] =	sst s25  }
0xa6: {  	s5 =	sshll.u32 s26, $0x1;
	_ =	strace $0x80000046;
	[dreg:$0x1] =	wrdreg $0xFFFFFFFF  }
0xa7: {  	s28 =	simm.s32 $_size_execute0_lowered;
	s3 =	sadd.s32 s3, s5;
	[dreg:$0x0] =	wrdreg $0x0  }
0xa8: {  	s5 =	sshll.u32 s28, $0x1;
	[dreg:$0x2] =	wrdreg s3  }
0xa9: {  	[dreg:$0x3] =	wrdreg s5  }
0xaa: {  	[dreg:$0x4] =	wrdreg $0xC0  }
0xab: {  	_ =	task [dreg:s7], $0x5FFFF  }
0xac: {  	[dreg:$0x1] =	wrdreg $0xFFFFFFFF  }
0xad: {  	[dreg:$0x0] =	wrdreg $0x60  }
0xae: {  	[dreg:$0x2] =	wrdreg s24  }
0xaf: {  	[dreg:$0x3] =	wrdreg s2  }
0xb0: {  	[dreg:$0x4] =	wrdreg $0xBC800  }
0xb1: {  	[dreg:$0x5] =	wrdreg $0x9  }
0xb2: {  	_ =	task.clear_ibuf [dreg:s7], $0x6FFFF;
	_ =	strace $0x90000046  }
0xb3: {  	s29 =	simm.s32 $0x9;
	_ =	strace $0x80000048  }
0xb4: {  	_ =	swait.ge [sflag:s29], $0x1  }
0xb5: {  	[sflag:s29] =	ssyncadd.s32 $0xFFFFFFFF  }
0xb6: {  	_ =	strace $0x90000048  }
0xb7: {  	_ =	sfence  }
0xb8: {  	s30 =	sld [smem:$0x0];
	_ =	sdelay $0x2  }
0xb9: {  	s31 =	sshll.u32 s1, $0xD;
	s1 =	sshrl.u32 s1, $0x2  }
0xba: {  	s3 =	sand.u32 $0x4000, s31;
	s1 =	sadd.s32 s1, s30  }
0xbb: {  	s0 =	sor.u32 s3, s0;
	s1 =	sshll.u32 s1, $0x11  }
0xbc: {  	s0 =	sor.u32 s1, s0  }
0xbd: {  	s0 =	sadd.s32 $0x8F2B, s0  }
0xbe: {  	[sflag:s0] =	ssyncadd.remote.s32 $0x1  }
0xbf: {  	_ =	sfence.sel $0xFFFF  }
0xc0: {  	[dreg:$0x0] =	wrdreg $0xFFFFFFFF;
	(pc) =	sbr.abs _section_cstart, $3  }
0xc1: {  	[dreg:$0x1] =	wrdreg $0xFFFFFFFF  }
0xc2: {  	_ =	task.clear_ibuf [dreg:s7], $0x2FFFF;
	_ =	strace $0x9FFFFFFF  }
0xc3: {  	(tm) =	ssettm $0x7FFFFFFF  }
tec
execute0_lowered:
.L_overlay_start_1:
0x0: {  	(tag) =	ssettag $0x1  }
0x1: {  	s0 =	rddreg [dreg:$0x0]  }
0x2: {  	s9 =	rddreg [dreg:$0x1]  }
0x3: {  	s1 =	rddreg [dreg:$0x2]  }
0x4: {  	s3 =	srdreg.scid;
	s14 =	stileid.u32;
	s2 =	simm.s32 $0x0  }
0x5: {  	s18 =	simm.s32 $0x80;
	s20 =	simm.s32 $0x1;
	s21 =	simm.s32 $0x7A80  }
0x6: {  	s22 =	simm.s32 $0xBA80;
	s23 =	simm.s32 $0x2;
	s24 =	simm.s32 $0x0  }
0x7: {  	s8 =	sand.u32 $0x1, s3;
	s31 =	sshll.u32 s14, $0x1;
	[smem:$0x7FF] =	sst s2  }
0x8: {  	s4 =	sadd.s32 $0xBC00, s0;
	s5 =	sadd.s32 $0x1A00, s0;
	s7 =	sadd.s32 $0xBA00, s0  }
0x9: {  	p0 =	sne.s32 s14, $0x0;
	s14 =	simm.s32 $0x3;
	s11 =	sor.u32 s8, s31  }
0xa: {  	_ =	strace $0x80000047;
	s12 =	ssub.s32 $0x2, s8;
	s3 =	smul.u32 $0x28, s11  }
0xb: {  	s8 =	sadd.s32 $0x33400, s0;
	s6 =	smul.u32 $0x2800, s11;
	s13 =	sshrl.u32 s12, $0x1  }
0xc: {  	s17 =	sshrl.u32 @!p0 s1, $0x3;
	s11 =	smul.u32 $0xA000, s11;
	s13 =	ssub.s32 s12, s13  }
0xd: {  	s12 =	sadd.s32 $0x33440, s0;
	s10 =	sadd.s32 s3, s0;
	s15 =	sshrl.u32 s6, $0x3  }
0xe: {  	s13 =	smax.u32 s13, $0x1;
	s9 =	sadd.s32 s9, s15;
	s10 =	sadd.s32 $0x32E00, s10  }
.LBB2_1:
0xf: {  	[tilespmem:s2], [sflag:$0x3] =	stream.linear.gather [hbm4b:s9+s2], $0x2800, $0x38;
	[tilespmem:$0x1F540] =	vst v63  }
0x10: {  	_ =	swait.ge [sflag:s14], $0x2800  }
0x11: {  	[sflag:s14] =	ssyncset.done $0x0  }
0x12: {  	s0 =	simm.s32 $0x2900;
	[sflag:s14] =	ssyncadd.s32 $0xFFFFD800  }
0x13: {  	[tilespmem:s0], [sflag:$0x3] =	stream.linear.gather [hbm4b:s10+s2], $0x140, $0x38;
	[tilespmem:$0x1F540] =	vst v63  }
0x14: {  	_ =	swait.ge [sflag:s14], $0x140  }
0x15: {  	[sflag:s14] =	ssyncset.done $0x0  }
0x16: {  	s30 =	simm.s32 $0x2A80;
	[sflag:s14] =	ssyncadd.s32 $0xFFFFFEC0  }
0x17: {  	[tilespmem:s30], [sflag:$0x3] =	stream.linear.gather [hbm4b:s7+s2], $0x1000, $0x38;
	[tilespmem:$0x1F540] =	vst v63  }
0x18: {  	_ =	swait.ge [sflag:s14], $0x1000  }
0x19: {  	[sflag:s14] =	ssyncset.done $0x0  }
0x1a: {  	s0 =	simm.s32 @!p0 $0x1C03;
	[sflag:s14] =	ssyncadd.s32 $0xFFFFF000  }
0x1b: {  	[spmem:s17], [sflag:s0] =	dma.local @!p0 [hbm:s4], $0x27180  }
0x1c: {  	s0 =	simm.s32 @!p0 $0x3  }
0x1d: {  	_ =	swait.ge @!p0 [sflag:s0], $0x27180  }
0x1e: {  	[sflag:s0] =	ssyncset.done @!p0 $0x0  }
0x1f: {  	[sflag:s0] =	ssyncadd.s32 @!p0 $0xFFFD8E80  }
0x20: {  	s31 =	simm.s32 $0x3A80;
	s25 =	simm.s32 $0x0;
	[bflag:$0x0] =	sbarrier.arrive $0xFFFF  }
0x21: {  	[tilespmem:s31], [sflag:$0x1] =	stream.indirect.gather [spmem:s1], $0x80, s2, s18, $0xb8;
	[tilespmem:$0x1F540] =	vst v63  }
.LBB2_2:
0x22: {  	_ =	swait.ge [sflag:s20], $0x4000;
	s26 =	sshllo.u32 s25, $0x1  }
0x23: {  	[sflag:s20] =	ssyncset.done $0x0;
	s28 =	sshll.u32 s26, $0x7  }
0x24: {  	s16 =	sshll.u32 s25, $0x8;
	[sflag:s20] =	ssyncadd.s32 $0xFFFFC000;
	s0 =	sand.u32 $0x3FFFFF80, s28  }
0x25: {  	[tilespmem:s21], [sflag:$0x2] =	stream.indirect.gather [spmem:s1], $0x80, s0, s18, $0xb8;
	[tilespmem:$0x1F540] =	vst v63  }
0x26: {  	s0 =	sadd.s32 s6, s16  }
0x27: {  	s0 =	sshrl.u32 s0, $0x3  }
0x28: {  	s29 =	simm.s32 $0x0;
	s30 =	simm.s32 $0x2800;
	s0 =	sadd.s32 s5, s0  }
0x29: {  	[tilespmem:s30], [sflag:$0x3] =	stream.linear.gather [hbm4b:s0+s29], $0x80, $0x38;
	[tilespmem:$0x1F540] =	vst v63  }
0x2a: {  	s19 =	sshll.u32 s25, $0x3;
	_ =	swait.ge [sflag:s14], $0x80  }
0x2b: {  	s0 =	sand.u32 $0x3FFFFFF8, s19;
	[sflag:s14] =	ssyncset.done $0x0  }
0x2c: {  	s15 =	simm.s32 $0x3AC0;
	s31 =	sadd.s32 $0x2900, s0;
	[sflag:s14] =	ssyncadd.s32 $0xFFFFFF80  }
.LBB2_3:
0x2d: {  	v15 =	vmov s30;
	_ =	sdelay $0x3  }
0x2e: {  	s0 =	simm.s32 $0x0  }
0x2f: {  	v0 =	vld.idx.msk [tilespmem:v15+s0+$0x0 ss:$0x1], $0xffff;
	_ =	sdelay $0x4  }
0x30: {  	(v2sf) =	vpush v0, $0x0;
	_ =	sdelay $0x8  }
0x31: {  	s19 =	simm.s32 $0x1  }
0x32: {  	v0 =	vld.idx.msk [tilespmem:v15+s19+$0x0 ss:$0x1], $0xffff;
	_ =	sdelay $0x4  }
0x33: {  	v1 =	vld [tilespmem:s15+$0x30];
	s16 =	spop (v2sf);
	(v2sf) =	vpush v0, $0x0  }
0x34: {  	v16 =	vld [tilespmem:s15+$0xFFFFFFC0];
	s19 =	sshll.u32 s16, $0x9  }
0x35: {  	v17 =	vld [tilespmem:s15+$0xFFFFFFD0];
	s0 =	sshra.s32 s19, $0x2  }
0x36: {  	v2 =	vld [tilespmem:s0+$0x2AF0]  }
0x37: {  	v14 =	vld [tilespmem:s0+$0x2A80]  }
0x38: {  	v13 =	vld [tilespmem:s0+$0x2A90]  }
0x39: {  	v12 =	vld [tilespmem:s0+$0x2AA0]  }
0x3a: {  	v11 =	vld [tilespmem:s0+$0x2AB0]  }
0x3b: {  	v4 =	vimm.f32 $0.0e+00;
	v5 =	vimm.f32 $0.0e+00;
	v10 =	vld [tilespmem:s0+$0x2AC0];
	v1 =	vmul.f32 v2, v1  }
0x3c: {  	v3 =	vimm.f32 $0.0e+00;
	v7 =	vimm.f32 $0.0e+00;
	v9 =	vld [tilespmem:s0+$0x2AD0];
	v2 =	vimm.f32 $0.0e+00  }
0x3d: {  	v6 =	vimm.f32 $0.0e+00;
	s16 =	simm.s32 $0xC;
	s19 =	simm.s32 $0x2;
	v8 =	vld [tilespmem:s0+$0x2AE0];
	s0 =	smov.u32 s15;
	v0 =	vadd.f32 v1, v2;
	v1 =	vimm.f32 $0.0e+00  }
.LBB2_4:
0x3e: {  	p1 =	sne.s32 s16, $0x7C;
	v18 =	vld.idx.msk [tilespmem:v15+s19+$0x0 ss:$0x1], $0xffff  }
0x3f: {  	v19 =	vld [tilespmem:s0+$0xFFFFFFE0]  }
0x40: {  	v20 =	vld [tilespmem:s0+$0xFFFFFFF0]  }
0x41: {  	v14 =	vmul.f32 v14, v16;
	v16 =	vld [tilespmem:s0+$0x0]  }
0x42: {  	s19 =	spop (v2sf);
	v13 =	vmul.f32 v13, v17;
	v17 =	vld [tilespmem:s0+$0x10]  }
0x43: {  	s19 =	sshll.u32 s19, $0x9;
	v2 =	vadd.f32 v14, v2;
	v21 =	vld [tilespmem:s0+$0x20];
	s0 =	sadd.s32 $0x80, s0  }
0x44: {  	(v2sf) =	vpush v18, $0x0;
	s19 =	sshra.s32 s19, $0x2;
	v18 =	vld [tilespmem:s0+$0x30];
	v4 =	vadd.f32 v13, v4;
	v12 =	vmul.f32 v12, v19  }
0x45: {  	v19 =	vld [tilespmem:s19+$0x2AF0];
	v11 =	vmul.f32 v11, v20  }
0x46: {  	v14 =	vld [tilespmem:s19+$0x2A80];
	v5 =	vadd.f32 v12, v5;
	v10 =	vmul.f32 v10, v16  }
0x47: {  	v13 =	vld [tilespmem:s19+$0x2A90];
	v3 =	vadd.f32 v11, v3;
	v9 =	vmul.f32 v9, v17  }
0x48: {  	v12 =	vld [tilespmem:s19+$0x2AA0];
	v7 =	vadd.f32 v10, v7;
	v8 =	vmul.f32 v8, v21  }
0x49: {  	v11 =	vld [tilespmem:s19+$0x2AB0];
	v6 =	vadd.f32 v9, v6  }
.Ltmp0:
0x4a: {  	v10 =	vld [tilespmem:s19+$0x2AC0];
	v16 =	vmul.f32 v19, v18;
	v1 =	vadd.f32 v8, v1;
	(pc) =	sbr.rel @p1 .LBB2_4-.Ltmp0, $4  }
0x4b: {  	v9 =	vld [tilespmem:s19+$0x2AD0]  }
0x4c: {  	v8 =	vld [tilespmem:s19+$0x2AE0];
	v0 =	vadd.f32 v16, v0  }
0x4d: {  	v16 =	vld [tilespmem:s0+$0xFFFFFFC0]  }
0x4e: {  	s19 =	sshra.s32 s16, $0x2;
	s16 =	sadd.s32 $0x4, s16;
	v17 =	vld [tilespmem:s0+$0xFFFFFFD0]  }
0x4f: {  	_ =	sdelay $0x3  }
0x50: {  	v15 =	vld.idx.msk [tilespmem:v15+s19+$0x0 ss:$0x1], $0xffff  }
0x51: {  	v18 =	vld [tilespmem:s0+$0xFFFFFFE0]  }
0x52: {  	v19 =	vld [tilespmem:s0+$0xFFFFFFF0]  }
0x53: {  	v20 =	vld [tilespmem:s0+$0x0]  }
0x54: {  	v21 =	vld [tilespmem:s0+$0x10]  }
0x55: {  	v22 =	vld [tilespmem:s0+$0x20];
	s0 =	sadd.s32 $0x80, s0  }
0x56: {  	v59 =	vld [tilespmem:s0+$0x30]  }
0x57: {  	v31 =	vld [tilespmem:s0+$0xFFFFFFC0]  }
0x58: {  	v32 =	vld [tilespmem:s0+$0xFFFFFFD0]  }
0x59: {  	v33 =	vld [tilespmem:s0+$0xFFFFFFE0]  }
0x5a: {  	v34 =	vld [tilespmem:s0+$0xFFFFFFF0]  }
0x5b: {  	s19 =	sadd.s32 s29, s31;
	v35 =	vld [tilespmem:s0+$0x0]  }
0x5c: {  	v36 =	vld.msk [tilespmem:s19+$0x0 ss:$0x0], $0xffff  }
0x5d: {  	v37 =	vld [tilespmem:s0+$0x10];
	s16 =	spop (v2sf);
	(v2sf) =	vpush v15, $0x0  }
0x5e: {  	v38 =	vld [tilespmem:s0+$0x20];
	s0 =	sadd.s32 $0x80, s0  }
0x5f: {  	v39 =	vld [tilespmem:s0+$0x30]  }
0x60: {  	v45 =	vld [tilespmem:s0+$0xFFFFFFE0]  }
0x61: {  	v47 =	vld [tilespmem:s0+$0xFFFFFFF0]  }
0x62: {  	v49 =	vld [tilespmem:s0+$0x0]  }
0x63: {  	v51 =	vld [tilespmem:s0+$0x10]  }
0x64: {  	v53 =	vld [tilespmem:s0+$0x20];
	s16 =	sshll.u32 s16, $0x9  }
0x65: {  	v8 =	vmul.f32 v8, v22;
	v22 =	vld [tilespmem:s0+$0xFFFFFFC0];
	s16 =	sshra.s32 s16, $0x2  }
0x66: {  	v23 =	vld [tilespmem:s16+$0x2AF0]  }
0x67: {  	v24 =	vld [tilespmem:s16+$0x2A80]  }
0x68: {  	v25 =	vld [tilespmem:s16+$0x2A90]  }
0x69: {  	v26 =	vld [tilespmem:s16+$0x2AA0]  }
0x6a: {  	v27 =	vld [tilespmem:s16+$0x2AB0]  }
0x6b: {  	v14 =	vmul.f32 v14, v16;
	v28 =	vld [tilespmem:s16+$0x2AC0]  }
0x6c: {  	v13 =	vmul.f32 v13, v17;
	v29 =	vld [tilespmem:s16+$0x2AD0];
	s19 =	spop (v2sf)  }
0x6d: {  	v12 =	vmul.f32 v12, v18;
	v2 =	vadd.f32 v14, v2;
	v11 =	vmul.f32 v11, v19;
	v30 =	vld [tilespmem:s16+$0x2AE0];
	s16 =	sshll.u32 s19, $0x9  }
0x6e: {  	v10 =	vmul.f32 v10, v20;
	v4 =	vadd.f32 v13, v4;
	v24 =	vmul.f32 v24, v31;
	v31 =	vld [tilespmem:s0+$0xFFFFFFD0];
	s16 =	sshra.s32 s16, $0x2  }
0x6f: {  	v9 =	vmul.f32 v9, v21;
	v5 =	vadd.f32 v12, v5;
	v3 =	vadd.f32 v11, v3;
	v40 =	vld [tilespmem:s16+$0x2A80]  }
0x70: {  	v7 =	vadd.f32 v10, v7;
	v23 =	vmul.f32 v23, v59;
	v43 =	vmul.f32 v25, v32;
	v41 =	vld [tilespmem:s16+$0x2A90]  }
0x71: {  	v6 =	vadd.f32 v9, v6;
	v44 =	vmul.f32 v26, v33;
	v46 =	vmul.f32 v27, v34;
	v42 =	vld [tilespmem:s16+$0x2AA0]  }
0x72: {  	v1 =	vadd.f32 v8, v1;
	v48 =	vmul.f32 v28, v35;
	v50 =	vmul.f32 v29, v37;
	v60 =	vld [tilespmem:s16+$0x2AB0]  }
0x73: {  	v52 =	vmul.f32 v30, v38;
	v0 =	vadd.f32 v23, v0;
	v2 =	vadd.f32 v24, v2;
	v61 =	vld [tilespmem:s16+$0x2AC0]  }
0x74: {  	v4 =	vadd.f32 v43, v4;
	v5 =	vadd.f32 v44, v5;
	v62 =	vld [tilespmem:s16+$0x2AD0];
	v10 =	vmul.f32 v40, v22  }
0x75: {  	v3 =	vadd.f32 v46, v3;
	v7 =	vadd.f32 v48, v7;
	v63 =	vld [tilespmem:s16+$0x2AE0];
	v13 =	vmul.f32 v41, v31  }
0x76: {  	v6 =	vadd.f32 v50, v6;
	v55 =	vld [tilespmem:s16+$0x2AF0];
	v54 =	vmul.f32 v42, v45;
	v2 =	vadd.f32 v10, v2  }
0x77: {  	v1 =	vadd.f32 v52, v1;
	v56 =	vmul.f32 v60, v47;
	v4 =	vadd.f32 v13, v4  }
0x78: {  	s19 =	sshll.u32 s29, $0x7;
	v57 =	vmul.f32 v61, v49;
	v5 =	vadd.f32 v54, v5;
	v2 =	vmul.f32 v36, v2  }
0x79: {  	s0 =	sand.u32 $0x3FFFFF80, s19;
	v58 =	vmul.f32 v62, v51;
	v3 =	vadd.f32 v56, v3;
	v4 =	vmul.f32 v36, v4  }
0x7a: {  	v59 =	vmul.f32 v63, v53;
	v7 =	vadd.f32 v57, v7;
	v60 =	vmul.f32 v36, v5;
	[tilespmem:s0+$0xBA80] =	vst v2  }
0x7b: {  	s29 =	sadd.s32 $0x1, s29;
	v61 =	vmul.f32 v55, v39;
	v6 =	vadd.f32 v58, v6;
	v3 =	vmul.f32 v36, v3;
	[tilespmem:s0+$0xBA90] =	vst v4  }
0x7c: {  	p1 =	sne.s32 s29, $0x4;
	v1 =	vadd.f32 v59, v1;
	v62 =	vmul.f32 v36, v7;
	[tilespmem:s0+$0xBAA0] =	vst v60  }
.Ltmp1:
0x7d: {  	v0 =	vadd.f32 v61, v0;
	v63 =	vmul.f32 v36, v6;
	[tilespmem:s0+$0xBAB0] =	vst v3;
	(pc) =	sbr.rel @p1 .LBB2_3-.Ltmp1, $4  }
0x7e: {  	v1 =	vmul.f32 v36, v1;
	[tilespmem:s0+$0xBAC0] =	vst v62  }
0x7f: {  	v0 =	vmul.f32 v36, v0;
	[tilespmem:s0+$0xBAD0] =	vst v63  }
0x80: {  	[tilespmem:s0+$0xBAE0] =	vst v1  }
0x81: {  	s30 =	sadd.s32 $0x20, s30;
	s15 =	sadd.s32 $0x1000, s15;
	[tilespmem:s0+$0xBAF0] =	vst v0  }
0x82: {  	s0 =	sadd.s32 s3, s25  }
0x83: {  	s0 =	sshll.u32 s0, $0x7  }
0x84: {  	s0 =	sadd.s32 s8, s0  }
0x85: {  	[hbm4b:s0+s2] =	stream.linear.scatter [tilespmem:s22], [sflag:$0x3], $0x200, $0x38;
	[tilespmem:$0x1F540] =	vst v63  }
0x86: {  	_ =	swait.ge [sflag:s14], $0x200  }
0x87: {  	[sflag:s14] =	ssyncset.done $0x0  }
0x88: {  	p1 =	seq.s32 s25, $0x27;
	[sflag:s14] =	ssyncadd.s32 $0xFFFFFE00  }
0x89: {  	s30 =	sadd.s32 s6, s28;
	s0 =	sshll.u32 @!p1 s25, $0x8;
	_ =	swait.ge [sflag:s23], $0x4000  }
0x8a: {  	s15 =	simm.s32 @!p1 $0x80;
	s0 =	sand.u32 @!p1 $0x3FFFFF00, s0;
	[sflag:s23] =	ssyncset.done $0x0  }
0x8b: {  	s16 =	simm.s32 @!p1 $0x3A80;
	s0 =	sadd.s32 @!p1 $0x100, s0;
	[sflag:s23] =	ssyncadd.s32 $0xFFFFC000  }
0x8c: {  	[tilespmem:s16], [sflag:$0x1] =	stream.indirect.gather @!p1 [spmem:s1], $0x80, s0, s15, $0xb8;
	[tilespmem:$0x1F540] =	vst v63  }
0x8d: {  	s0 =	sshrl.u32 s30, $0x3  }
0x8e: {  	s28 =	simm.s32 $0x0;
	s29 =	simm.s32 $0x2800;
	s0 =	sadd.s32 s5, s0  }
0x8f: {  	[tilespmem:s29], [sflag:$0x3] =	stream.linear.gather [hbm4b:s0+s28], $0x80, $0x38;
	[tilespmem:$0x1F540] =	vst v63  }
0x90: {  	s31 =	sshll.u32 s26, $0x2;
	_ =	swait.ge [sflag:s14], $0x80  }
0x91: {  	s0 =	sand.u32 $0x3FFFFFFC, s31;
	[sflag:s14] =	ssyncset.done $0x0  }
0x92: {  	s26 =	sadd.s32 $0x2900, s0;
	s0 =	simm.s32 $0x7AC0;
	[sflag:s14] =	ssyncadd.s32 $0xFFFFFF80  }
.LBB2_7:
0x93: {  	v15 =	vmov s29;
	_ =	sdelay $0x3  }
0x94: {  	s15 =	simm.s32 $0x0  }
0x95: {  	v0 =	vld.idx.msk [tilespmem:v15+s15+$0x0 ss:$0x1], $0xffff;
	_ =	sdelay $0x4  }
0x96: {  	(v2sf) =	vpush v0, $0x0;
	_ =	sdelay $0x8  }
0x97: {  	s30 =	simm.s32 $0x1  }
0x98: {  	v0 =	vld.idx.msk [tilespmem:v15+s30+$0x0 ss:$0x1], $0xffff;
	_ =	sdelay $0x4  }
0x99: {  	v1 =	vld [tilespmem:s0+$0x30];
	s16 =	spop (v2sf);
	(v2sf) =	vpush v0, $0x0  }
0x9a: {  	v16 =	vld [tilespmem:s0+$0xFFFFFFC0];
	s31 =	sshll.u32 s16, $0x9  }
0x9b: {  	v17 =	vld [tilespmem:s0+$0xFFFFFFD0];
	s15 =	sshra.s32 s31, $0x2  }
0x9c: {  	v2 =	vld [tilespmem:s15+$0x2AF0]  }
0x9d: {  	v14 =	vld [tilespmem:s15+$0x2A80]  }
0x9e: {  	v13 =	vld [tilespmem:s15+$0x2A90]  }
0x9f: {  	v12 =	vld [tilespmem:s15+$0x2AA0]  }
0xa0: {  	v11 =	vld [tilespmem:s15+$0x2AB0]  }
0xa1: {  	v4 =	vimm.f32 $0.0e+00;
	v5 =	vimm.f32 $0.0e+00;
	v10 =	vld [tilespmem:s15+$0x2AC0];
	v1 =	vmul.f32 v2, v1  }
0xa2: {  	v3 =	vimm.f32 $0.0e+00;
	v7 =	vimm.f32 $0.0e+00;
	v9 =	vld [tilespmem:s15+$0x2AD0];
	v2 =	vimm.f32 $0.0e+00  }
0xa3: {  	s19 =	simm.s32 $0x2;
	v6 =	vimm.f32 $0.0e+00;
	s16 =	simm.s32 $0xC;
	v8 =	vld [tilespmem:s15+$0x2AE0];
	s15 =	smov.u32 s0;
	v0 =	vadd.f32 v1, v2;
	v1 =	vimm.f32 $0.0e+00  }
.LBB2_8:
0xa4: {  	p1 =	sne.s32 s16, $0x7C;
	v18 =	vld.idx.msk [tilespmem:v15+s19+$0x0 ss:$0x1], $0xffff  }
0xa5: {  	v19 =	vld [tilespmem:s15+$0xFFFFFFE0]  }
0xa6: {  	v20 =	vld [tilespmem:s15+$0xFFFFFFF0]  }
0xa7: {  	v14 =	vmul.f32 v14, v16;
	v16 =	vld [tilespmem:s15+$0x0]  }
0xa8: {  	s19 =	spop (v2sf);
	v13 =	vmul.f32 v13, v17;
	v17 =	vld [tilespmem:s15+$0x10]  }
0xa9: {  	s19 =	sshll.u32 s19, $0x9;
	v2 =	vadd.f32 v14, v2;
	v21 =	vld [tilespmem:s15+$0x20];
	s15 =	sadd.s32 $0x80, s15  }
0xaa: {  	(v2sf) =	vpush v18, $0x0;
	s19 =	sshra.s32 s19, $0x2;
	v18 =	vld [tilespmem:s15+$0x30];
	v4 =	vadd.f32 v13, v4;
	v12 =	vmul.f32 v12, v19  }
0xab: {  	v19 =	vld [tilespmem:s19+$0x2AF0];
	v11 =	vmul.f32 v11, v20  }
0xac: {  	v14 =	vld [tilespmem:s19+$0x2A80];
	v5 =	vadd.f32 v12, v5;
	v10 =	vmul.f32 v10, v16  }
0xad: {  	v13 =	vld [tilespmem:s19+$0x2A90];
	v3 =	vadd.f32 v11, v3;
	v9 =	vmul.f32 v9, v17  }
0xae: {  	v12 =	vld [tilespmem:s19+$0x2AA0];
	v7 =	vadd.f32 v10, v7;
	v8 =	vmul.f32 v8, v21  }
0xaf: {  	v11 =	vld [tilespmem:s19+$0x2AB0];
	v6 =	vadd.f32 v9, v6  }
.Ltmp2:
0xb0: {  	v10 =	vld [tilespmem:s19+$0x2AC0];
	v16 =	vmul.f32 v19, v18;
	v1 =	vadd.f32 v8, v1;
	(pc) =	sbr.rel @p1 .LBB2_8-.Ltmp2, $4  }
0xb1: {  	v9 =	vld [tilespmem:s19+$0x2AD0]  }
0xb2: {  	v8 =	vld [tilespmem:s19+$0x2AE0];
	v0 =	vadd.f32 v16, v0  }
0xb3: {  	v16 =	vld [tilespmem:s15+$0xFFFFFFC0]  }
0xb4: {  	s19 =	sshra.s32 s16, $0x2;
	s16 =	sadd.s32 $0x4, s16;
	v17 =	vld [tilespmem:s15+$0xFFFFFFD0]  }
0xb5: {  	_ =	sdelay $0x3  }
0xb6: {  	v15 =	vld.idx.msk [tilespmem:v15+s19+$0x0 ss:$0x1], $0xffff  }
0xb7: {  	v18 =	vld [tilespmem:s15+$0xFFFFFFE0]  }
0xb8: {  	v19 =	vld [tilespmem:s15+$0xFFFFFFF0]  }
0xb9: {  	v20 =	vld [tilespmem:s15+$0x0]  }
0xba: {  	v21 =	vld [tilespmem:s15+$0x10]  }
0xbb: {  	v22 =	vld [tilespmem:s15+$0x20];
	s31 =	sadd.s32 $0x80, s15  }
0xbc: {  	v59 =	vld [tilespmem:s31+$0x30]  }
0xbd: {  	v31 =	vld [tilespmem:s31+$0xFFFFFFC0]  }
0xbe: {  	v32 =	vld [tilespmem:s31+$0xFFFFFFD0]  }
0xbf: {  	v33 =	vld [tilespmem:s31+$0xFFFFFFE0]  }
0xc0: {  	v34 =	vld [tilespmem:s31+$0xFFFFFFF0]  }
0xc1: {  	s19 =	sadd.s32 s28, s26;
	v35 =	vld [tilespmem:s31+$0x0]  }
0xc2: {  	v36 =	vld.msk [tilespmem:s19+$0x0 ss:$0x0], $0xffff  }
0xc3: {  	v37 =	vld [tilespmem:s31+$0x10];
	s16 =	spop (v2sf);
	(v2sf) =	vpush v15, $0x0  }
0xc4: {  	v38 =	vld [tilespmem:s31+$0x20];
	s15 =	sadd.s32 $0x80, s31  }
0xc5: {  	v39 =	vld [tilespmem:s15+$0x30]  }
0xc6: {  	v45 =	vld [tilespmem:s15+$0xFFFFFFE0]  }
0xc7: {  	v47 =	vld [tilespmem:s15+$0xFFFFFFF0]  }
0xc8: {  	v49 =	vld [tilespmem:s15+$0x0]  }
0xc9: {  	v51 =	vld [tilespmem:s15+$0x10]  }
0xca: {  	v53 =	vld [tilespmem:s15+$0x20];
	s16 =	sshll.u32 s16, $0x9  }
0xcb: {  	v8 =	vmul.f32 v8, v22;
	v22 =	vld [tilespmem:s15+$0xFFFFFFC0];
	s16 =	sshra.s32 s16, $0x2  }
0xcc: {  	v23 =	vld [tilespmem:s16+$0x2AF0]  }
0xcd: {  	v24 =	vld [tilespmem:s16+$0x2A80]  }
0xce: {  	v25 =	vld [tilespmem:s16+$0x2A90]  }
0xcf: {  	v26 =	vld [tilespmem:s16+$0x2AA0]  }
0xd0: {  	v27 =	vld [tilespmem:s16+$0x2AB0]  }
0xd1: {  	v14 =	vmul.f32 v14, v16;
	v28 =	vld [tilespmem:s16+$0x2AC0]  }
0xd2: {  	v13 =	vmul.f32 v13, v17;
	v29 =	vld [tilespmem:s16+$0x2AD0];
	s30 =	spop (v2sf)  }
0xd3: {  	v12 =	vmul.f32 v12, v18;
	v2 =	vadd.f32 v14, v2;
	v11 =	vmul.f32 v11, v19;
	v30 =	vld [tilespmem:s16+$0x2AE0];
	s16 =	sshll.u32 s30, $0x9  }
0xd4: {  	v10 =	vmul.f32 v10, v20;
	v4 =	vadd.f32 v13, v4;
	v24 =	vmul.f32 v24, v31;
	v31 =	vld [tilespmem:s15+$0xFFFFFFD0];
	s16 =	sshra.s32 s16, $0x2  }
0xd5: {  	v9 =	vmul.f32 v9, v21;
	v5 =	vadd.f32 v12, v5;
	v3 =	vadd.f32 v11, v3;
	v40 =	vld [tilespmem:s16+$0x2A80]  }
0xd6: {  	v7 =	vadd.f32 v10, v7;
	v23 =	vmul.f32 v23, v59;
	v43 =	vmul.f32 v25, v32;
	v41 =	vld [tilespmem:s16+$0x2A90]  }
0xd7: {  	v6 =	vadd.f32 v9, v6;
	v44 =	vmul.f32 v26, v33;
	v46 =	vmul.f32 v27, v34;
	v42 =	vld [tilespmem:s16+$0x2AA0]  }
0xd8: {  	v1 =	vadd.f32 v8, v1;
	v48 =	vmul.f32 v28, v35;
	v50 =	vmul.f32 v29, v37;
	v60 =	vld [tilespmem:s16+$0x2AB0]  }
0xd9: {  	v52 =	vmul.f32 v30, v38;
	v0 =	vadd.f32 v23, v0;
	v2 =	vadd.f32 v24, v2;
	v61 =	vld [tilespmem:s16+$0x2AC0]  }
0xda: {  	v4 =	vadd.f32 v43, v4;
	v5 =	vadd.f32 v44, v5;
	v62 =	vld [tilespmem:s16+$0x2AD0];
	v10 =	vmul.f32 v40, v22  }
0xdb: {  	v3 =	vadd.f32 v46, v3;
	v7 =	vadd.f32 v48, v7;
	v63 =	vld [tilespmem:s16+$0x2AE0];
	v13 =	vmul.f32 v41, v31  }
0xdc: {  	v6 =	vadd.f32 v50, v6;
	v55 =	vld [tilespmem:s16+$0x2AF0];
	v54 =	vmul.f32 v42, v45;
	v2 =	vadd.f32 v10, v2  }
0xdd: {  	v1 =	vadd.f32 v52, v1;
	v56 =	vmul.f32 v60, v47;
	v4 =	vadd.f32 v13, v4  }
0xde: {  	s31 =	sshll.u32 s28, $0x7;
	v57 =	vmul.f32 v61, v49;
	v5 =	vadd.f32 v54, v5;
	v2 =	vmul.f32 v36, v2  }
0xdf: {  	s15 =	sand.u32 $0x3FFFFF80, s31;
	v58 =	vmul.f32 v62, v51;
	v3 =	vadd.f32 v56, v3;
	v4 =	vmul.f32 v36, v4  }
0xe0: {  	v59 =	vmul.f32 v63, v53;
	v7 =	vadd.f32 v57, v7;
	v60 =	vmul.f32 v36, v5;
	[tilespmem:s15+$0xBA80] =	vst v2  }
0xe1: {  	s28 =	sadd.s32 $0x1, s28;
	v61 =	vmul.f32 v55, v39;
	v6 =	vadd.f32 v58, v6;
	v3 =	vmul.f32 v36, v3;
	[tilespmem:s15+$0xBA90] =	vst v4  }
0xe2: {  	p1 =	sne.s32 s28, $0x4;
	v1 =	vadd.f32 v59, v1;
	v62 =	vmul.f32 v36, v7;
	[tilespmem:s15+$0xBAA0] =	vst v60  }
.Ltmp3:
0xe3: {  	v0 =	vadd.f32 v61, v0;
	v63 =	vmul.f32 v36, v6;
	[tilespmem:s15+$0xBAB0] =	vst v3;
	(pc) =	sbr.rel @p1 .LBB2_7-.Ltmp3, $4  }
0xe4: {  	v1 =	vmul.f32 v36, v1;
	[tilespmem:s15+$0xBAC0] =	vst v62  }
0xe5: {  	v0 =	vmul.f32 v36, v0;
	[tilespmem:s15+$0xBAD0] =	vst v63  }
0xe6: {  	[tilespmem:s15+$0xBAE0] =	vst v1  }
0xe7: {  	s29 =	sadd.s32 $0x20, s29;
	s0 =	sadd.s32 $0x1000, s0;
	[tilespmem:s15+$0xBAF0] =	vst v0  }
0xe8: {  	s0 =	sshll.u32 s25, $0xA  }
0xe9: {  	s25 =	sadd.s32 $0x1, s25;
	s0 =	sadd.s32 s11, s0  }
0xea: {  	p1 =	sne.s32 s25, $0x28;
	s0 =	sshrl.u32 s0, $0x3  }
.Ltmp4:
0xeb: {  	s0 =	sadd.s32 s0, s12;
	(pc) =	sbr.rel @p1 .LBB2_2-.Ltmp4, $4  }
0xec: {  	[hbm4b:s0+s2] =	stream.linear.scatter [tilespmem:s22], [sflag:$0x3], $0x200, $0x38;
	[tilespmem:$0x1F540] =	vst v63  }
0xed: {  	_ =	swait.ge [sflag:s14], $0x200  }
0xee: {  	[sflag:s14] =	ssyncset.done $0x0  }
0xef: {  	[sflag:s14] =	ssyncadd.s32 $0xFFFFFE00  }
0xf0: {  	s24 =	sadd.s32 $0x1, s24  }
0xf1: {  	p1 =	sne.s32 s24, s13  }
.Ltmp5:
0xf2: {  	_ = 	snop;
	(pc) =	sbr.rel @p1 .LBB2_1-.Ltmp5, $1  }
0xf3: {  	_ =	sdelay $0x3  }
0xf4: {  	_ =	sfence.sel $0x180000  }
0xf5: {  	[bflag:$0x0] =	sbarrier.arrive $0xFFFF  }
0xf6: {  	_ =	strace $0x90000047  }
0xf7: {  	[bflag:$0x2] =	sbarrier.arrive $0xFFFF  }
0xf8: {  	s0 =	rddreg [dreg:$0x3]  }
0xf9: {  	s0 =	sadd.s32 @!p0 $0x100000, s0  }
0xfa: {  	[sflag:s0] =	ssyncadd.tile.s32 @!p0 $0x1;
	_ =	shalt  }
.Lfunc_end2:
_tile_overlayer_lowered:
.L_overlay_start_2:
0xfb: {  	(tag) =	ssettag $0x2  }
0xfc: {  	s0 =	rddreg [dreg:$0x0];
	s2 =	stileid.u32  }
0xfd: {  	s1 =	rddreg [dreg:$0x1];
	p0 =	sne.s32 s2, $0x0  }
0xfe: {  	s3 =	rddreg [dreg:$0x2];
	[bflag:$0x3] =	sbarrier.arrive $0xFFFF;
	s2 =	simm.s32 @!p0 $0x1C03  }
0xff: {  	[timem:s3], [sflag:s2] =	dma.local @!p0 [hbm:s0], s1  }
0x100: {  	s0 =	simm.s32 @!p0 $0x3  }
0x101: {  	_ =	swait.ge @!p0 [sflag:s0], s1  }
0x102: {  	s1 =	ssub.s32 @!p0 $0x0, s1;
	[sflag:s0] =	ssyncset.done @!p0 $0x0  }
0x103: {  	[sflag:s0] =	ssyncadd.s32 @!p0 s1  }
0x104: {  	[bflag:$0x3] =	sbarrier.arrive $0xFFFF  }
0x105: {  	_ =	shalt  }

</sc_bundles>
